<compile_context>
chip_gen: v7x
topology: tpu7x:2x2x1
jax: 0.10.2.dev20260603
libtpu: 0.0.44.dev20260713+nightly
codegen_flags: <defaults>
</compile_context>

<pallas_src>
import functools

import jax
import jax.numpy as jnp
from jax import lax
from jax.experimental import pallas as pl
from jax.experimental.pallas import tpu as pltpu
from jax.experimental.pallas import tpu_sc as plsc

_TH = 0.5
_TAU = 0.1
_N = 1024
_NC = _N // 16
_NW = _N // 32


def _tc_body(xr_ref, vs_ref, condp_ref, rowmax_ref, vout_ref, dist_ref):
    n = _N
    nb = 4
    blk = n // nb
    xr = xr_ref[...]
    xc = xr.T
    for bi in range(nb):
        for bj in range(bi + 1):
            acc = jnp.zeros((blk, blk), jnp.float32)
            xci = xc[bi * blk:(bi + 1) * blk, :]
            for s in range(8):
                d0 = xci[:, s:s + 1] - xr[s:s + 1, bj * blk:(bj + 1) * blk]
                d1 = (xci[:, 8 + s:9 + s]
                      - xr[8 + s:9 + s, bj * blk:(bj + 1) * blk])
                acc = acc + jnp.sqrt(d0 * d0 + d1 * d1)
            dist_ref[bi * blk:(bi + 1) * blk, bj * blk:(bj + 1) * blk] = acc
            if bi != bj:
                dist_ref[bj * blk:(bj + 1) * blk,
                         bi * blk:(bi + 1) * blk] = acc.T
    dist = dist_ref[...] / 8.0

    bi = lax.broadcasted_iota(jnp.int32, (n, n), 0)
    br = lax.broadcasted_iota(jnp.int32, (n, n), 1)
    condt = (bi < br) & (dist <= _TH)
    rowmax_ref[...] = jnp.max(jnp.where(condt, bi, -1), axis=0, keepdims=True)

    pw = lax.broadcasted_iota(jnp.int32, (_NW, n), 0)
    pi = lax.broadcasted_iota(jnp.int32, (_NW, n), 1)
    same_word = (pi >> 5) == pw
    val = 1 << (pi & 15)
    pack_lo = jnp.where(same_word & ((pi & 31) < 16), val, 0).astype(jnp.float32)
    pack_hi = jnp.where(same_word & ((pi & 31) >= 16), val, 0).astype(jnp.float32)
    condf = condt.astype(jnp.float32)
    lo = jnp.dot(pack_lo, condf, preferred_element_type=jnp.float32)
    hi = jnp.dot(pack_hi, condf, preferred_element_type=jnp.float32)
    condp_ref[...] = lo.astype(jnp.int32) | (hi.astype(jnp.int32) << 16)

    z = (_TH - dist) * (1.0 / _TAU)
    sig = 1.0 / (1.0 + jnp.exp(-z))
    colsum = jnp.sum(sig, axis=0, keepdims=True)
    vs = vs_ref[...]
    vsoft = jnp.dot(vs, sig, preferred_element_type=jnp.float32) / colsum
    vout_ref[...] = (vs - vsoft) + vsoft


_tc_call = pl.pallas_call(
    _tc_body,
    out_shape=[
        jax.ShapeDtypeStruct((_NW, _N), jnp.int32),
        jax.ShapeDtypeStruct((1, _N), jnp.int32),
        jax.ShapeDtypeStruct((16, _N), jnp.float32),
    ],
    scratch_shapes=[pltpu.VMEM((_N, _N), jnp.float32)],
)


def _sc_body(condp_hbm, rowmax_hbm, out_hbm,
             condp_v, rowmax_v, label_v, present_v, rank_v):
    wid = lax.axis_index("c") * 16 + lax.axis_index("s")

    @pl.when(wid == 0)
    def _run():
        pltpu.sync_copy(rowmax_hbm, rowmax_v)
        lanes = lax.iota(jnp.int32, 16)
        zeros = jnp.zeros((16,), jnp.int32)

        def _count(k, acc):
            rm = rowmax_v[pl.ds(k * 16, 16)]
            return acc + (rm >= 0).astype(jnp.int32)

        total_hits = jnp.sum(lax.fori_loop(0, _NC, _count, zeros))

        @pl.when(total_hits == 0)
        def _identity():
            def _iota(k, carry):
                present_v[pl.ds(k * 16, 16)] = lanes + k * 16
                return carry

            lax.fori_loop(0, _NC, _iota, 0)

        @pl.when(total_hits > 0)
        def _cluster():
            pltpu.sync_copy(condp_hbm, condp_v)

            def _init(k, carry):
                label_v[pl.ds(k * 16, 16)] = lanes + k * 16
                present_v[pl.ds(k * 16, 16)] = zeros
                return carry

            lax.fori_loop(0, _NC, _init, 0)

            _cluster_and_compact(condp_v, rowmax_v, label_v, present_v,
                                 rank_v, lanes, zeros)

        pltpu.sync_copy(present_v, out_hbm)


def _cluster_and_compact(condp_v, rowmax_v, label_v, present_v, rank_v,
                         lanes, zeros):
        def _do_row(r):
            rsplat = zeros + r
            cksplat = plsc.load_gather(rowmax_v, [rsplat])
            lr = plsc.load_gather(label_v, [rsplat])

            def _upd(k, carry):
                lk = label_v[pl.ds(k * 16, 16)]
                w = plsc.load_gather(condp_v, [((lk >> 5) << 10) + rsplat])
                bit = (w >> (lk & 31)) & 1
                msk = (bit > 0) | (lk == lr)
                label_v[pl.ds(k * 16, 16)] = jnp.where(msk, cksplat, lk)
                return carry

            lax.fori_loop(0, _NC, _upd, 0)

        def _chunk(kk, carry):
            rm = rowmax_v[pl.ds(kk * 16, 16)]
            nhit = jnp.sum((rm >= 0).astype(jnp.int32))

            @pl.when(nhit > 0)
            def _scan_lanes():
                def _lane(j, c2):
                    ck = jnp.sum(jnp.where(lanes == j, rm, 0))

                    @pl.when(ck >= 0)
                    def _hit():
                        _do_row(kk * 16 + j)

                    return c2

                lax.fori_loop(0, 16, _lane, 0)

            return carry

        lax.fori_loop(0, _NC, _chunk, 0)

        ones = zeros + 1

        def _mark(k, carry):
            plsc.store_scatter(present_v, [label_v[pl.ds(k * 16, 16)]], ones)
            return carry

        lax.fori_loop(0, _NC, _mark, 0)

        def _rank(k, carry):
            ch = present_v[pl.ds(k * 16, 16)]
            cs = jnp.cumsum(ch)
            rank_v[pl.ds(k * 16, 16)] = cs + (carry - 1)
            return carry + jnp.sum(ch)

        lax.fori_loop(0, _NC, _rank, 0)

        def _emit(k, carry):
            lk = label_v[pl.ds(k * 16, 16)]
            present_v[pl.ds(k * 16, 16)] = plsc.load_gather(rank_v, [lk])
            return carry

        lax.fori_loop(0, _NC, _emit, 0)


@functools.cache
def _sc_call():
    return pl.kernel(
        _sc_body,
        mesh=plsc.VectorSubcoreMesh(core_axis_name="c", subcore_axis_name="s"),
        compiler_params=pltpu.CompilerParams(needs_layout_passes=False),
        out_type=jax.ShapeDtypeStruct((_N,), jnp.int32),
        scratch_types=[
            pltpu.VMEM((_N * _NW,), jnp.int32),
            pltpu.VMEM((_N,), jnp.int32),
            pltpu.VMEM((_N,), jnp.int32),
            pltpu.VMEM((_N,), jnp.int32),
            pltpu.VMEM((_N,), jnp.int32),
        ],
    )


def kernel(v, v_abs):
    x = v_abs.reshape(16, _N)
    vs = v.reshape(16, _N)
    condp, rowmax, vout = _tc_call(x, vs)
    indices = _sc_call()(condp.reshape(_N * _NW), rowmax.reshape(_N))
    return (vout.reshape(1, 2, 8, _N), indices)

# --- scband reference (transcript-rebuilt; emitter-appended) ---
"""Pipeline reference for scband-group-generator-23304492548376 (READ-ONLY COPY).

The authoritative reference and input builder live on the scoring server;
editing this copy changes nothing except your own understanding.
"""

import jax, jax.numpy as jnp
import numpy as np

TH = 0.5
TAU = 0.1


def setup_inputs(seed: int = 0) -> dict:
    key = jax.random.key(seed)
    k1, k2 = jax.random.split(key)
    v = jax.random.normal(k1, (1, 2, 8, 1024), dtype=jnp.float32)
    v_abs = jax.random.normal(k2, (1, 2, 8, 1024), dtype=jnp.float32)
    return {"v": v, "v_abs": v_abs}


def _find_group_indices(dist_mat, th):
    n = dist_mat.shape[0]
    mask = jnp.triu(jnp.full_like(dist_mat, 10000.0))
    cond = (jnp.tril(dist_mat, k=-1) + mask) <= th
    cond_flat = cond.reshape(-1)

    def body(p, ind):
        r = p // n
        c = p % n
        hit = cond_flat[p]
        return jnp.where((ind == ind[r]) & hit, c, ind)

    indices_raw = jax.lax.fori_loop(
        0, n * n, body, jnp.arange(n, dtype=jnp.int32)
    )
    present = jnp.zeros((n,), dtype=jnp.int32).at[indices_raw].set(1)
    indices = (jnp.cumsum(present) - 1)[indices_raw]
    return indices


def reference(v, v_abs):
    # v, v_abs: (1, 2, seq_len, n_ped); d_type='euclidean', hard=True
    n = v.shape[-1]
    # temp = v_abs.unsqueeze(-1).repeat_interleave(n, dim=-1)
    temp = jnp.broadcast_to(v_abs[..., None], v_abs.shape + (n,))
    diff = temp - jnp.swapaxes(temp, -2, -1)
    dist = jnp.sqrt(jnp.sum(diff * diff, axis=1))  # norm(p=2, dim=1) -> (1, S, n, n)
    dist_mat = dist[0].mean(axis=0)  # squeeze(0).mean(dim=0) -> (n, n)
    indices = _find_group_indices(dist_mat, TH)
    # group_backprop_trick_threshold on v.squeeze(0), dist_mat.unsqueeze(0)
    vs = v[0]  # (2, S, n)
    dm = dist_mat[None]  # (1, n, n)
    sig = jax.nn.sigmoid(-(dm - TH) / TAU)
    sig_norm = sig / jnp.sum(sig, axis=0, keepdims=True)
    v_soft = jnp.matmul(vs, sig_norm)  # (2, S, n) @ (1->2, n, n) -> (2, S, n)
    # hard=True: straight-through trick
    v_out = jax.lax.stop_gradient(vs - v_soft) + v_soft
    return (v_out[None], indices)

if __name__ == "__main__":
    import jax
    _d = setup_inputs()
    print(jax.jit(kernel)(*tuple(_d.values())))

</pallas_src>

<mosaic_0001>
#map = affine_map<(d0, d1) -> (0)>
module attributes {stable_mosaic.version = 14 : i64} {
  func.func @_sc_body(%arg0: i32, %arg1: i32, %arg2: memref<32768xi32, #tpu.memory_space<hbm>>, %arg3: memref<1024xi32, #tpu.memory_space<hbm>>, %arg4: memref<1024xi32, #tpu.memory_space<hbm>>, %arg5: memref<32768xi32, #tpu.memory_space<vmem>>, %arg6: memref<1024xi32, #tpu.memory_space<vmem>>, %arg7: memref<1024xi32, #tpu.memory_space<vmem>>, %arg8: memref<1024xi32, #tpu.memory_space<vmem>>, %arg9: memref<1024xi32, #tpu.memory_space<vmem>>) attributes {dimension_semantics = [#tpu.dimension_semantics<core_parallel>, #tpu.dimension_semantics<subcore_parallel>], iteration_bounds = array<i64: 2, 16>, scalar_prefetch = 0 : i64, scratch_operands = 5 : i64, tpu.core_type = #tpu.core_type<sc_vector_subcore>, window_params = [{transform_indices = #map}, {transform_indices = #map}, {transform_indices = #map}]} {
    %mul3A = arith.constant 16 : i32
    %mul3A_0 = arith.muli %arg0, %mul3A : i32
    %add3A = arith.addi %mul3A_0, %arg1 : i32
    %eq3A = arith.constant 0 : i32
    %eq3A_1 = arith.cmpi eq, %add3A, %eq3A : i32
    %convert_element_type3A = arith.extui %eq3A_1 : i1 to i32
    %cond3A = arith.constant 0 : i32
    %cond3A_2 = arith.cmpi ne, %convert_element_type3A, %cond3A : i32
    scf.if %cond3A_2 {
      "tpu.region"() ({
        %run_scoped3A = tpu.sem_alloc : memref<!tpu.dma_semaphore, #tpu.memory_space<semaphore_mem>>
        tpu.enqueue_dma source(%arg3 : memref<1024xi32, #tpu.memory_space<hbm>>) target(%arg6 : memref<1024xi32, #tpu.memory_space<vmem>>) target_semaphore(%run_scoped3A : memref<!tpu.dma_semaphore, #tpu.memory_space<semaphore_mem>>)
        tpu.wait_dma2 semaphore(%run_scoped3A : memref<!tpu.dma_semaphore, #tpu.memory_space<semaphore_mem>>) src(%arg3 : memref<1024xi32, #tpu.memory_space<hbm>>) dst(%arg6 : memref<1024xi32, #tpu.memory_space<vmem>>)
        tpu.yield
      }) : () -> ()
      %iota3A = tpu.iota {dimensions = array<i32: 0>} : vector<16xi32>
      %broadcast_in_dim3A = arith.constant 0 : i32
      %broadcast_in_dim3A_3 = vector.broadcast %broadcast_in_dim3A : i32 to vector<16xi32>
      %scan3A = arith.constant 0 : i32
      %scan3A_4 = arith.constant 64 : i32
      %scan3A_5 = arith.addi %scan3A, %scan3A_4 : i32
      %scan3A_6 = arith.constant 1 : i32
      %scan3A_7 = scf.for %scan3A_21 = %scan3A to %scan3A_5 step %scan3A_6 iter_args(%scan3A_22 = %broadcast_in_dim3A_3) -> (vector<16xi32>)  : i32 {
        %mul3A_23 = arith.constant 16 : i32
        %mul3A_24 = arith.muli %scan3A_21, %mul3A_23 : i32
        %get3A = arith.index_cast %mul3A_24 : i32 to index
        %get3A_25 = tpu.vector_load %arg6[%get3A] {strides = array<i32>} : memref<1024xi32, #tpu.memory_space<vmem>>, vector<16xi32>,
        %ge3A = arith.constant 0 : i32
        %ge3A_26 = vector.broadcast %ge3A : i32 to vector<16xi32>
        %ge3A_27 = arith.cmpi sge, %get3A_25, %ge3A_26 : vector<16xi32>
        %convert_element_type3A_28 = arith.extui %ge3A_27 : vector<16xi1> to vector<16xi32>
        %add3A_29 = arith.addi %scan3A_22, %convert_element_type3A_28 : vector<16xi32>
        scf.yield %add3A_29 : vector<16xi32>
      }
      %scan3A_8 = arith.constant 64 : i32
      %reduce_sum3A = arith.constant true
      %reduce_sum3A_9 = vector.broadcast %reduce_sum3A : i1 to vector<16xi1>
      %reduce_sum3A_10 = tpu.scan <sum>, %scan3A_7 masked %reduce_sum3A_9 : vector<16xi32>, vector<16xi1> -> vector<16xi32>
      %reduce_sum3A_11 = vector.extract %reduce_sum3A_10[15] : i32 from vector<16xi32>
      %eq3A_12 = arith.constant 0 : i32
      %eq3A_13 = arith.cmpi eq, %reduce_sum3A_11, %eq3A_12 : i32
      %convert_element_type3A_14 = arith.extui %eq3A_13 : i1 to i32
      %cond3A_15 = arith.constant 0 : i32
      %cond3A_16 = arith.cmpi ne, %convert_element_type3A_14, %cond3A_15 : i32
      scf.if %cond3A_16 {
        %scan3A_21 = arith.constant 0 : i32
        %scan3A_22 = arith.constant 0 : i32
        %scan3A_23 = arith.constant 64 : i32
        %scan3A_24 = arith.addi %scan3A_22, %scan3A_23 : i32
        %scan3A_25 = arith.constant 1 : i32
        scf.for %scan3A_27 = %scan3A_22 to %scan3A_24 step %scan3A_25  : i32 {
          %mul3A_28 = arith.constant 16 : i32
          %mul3A_29 = arith.muli %scan3A_27, %mul3A_28 : i32
          %add3A_30 = vector.broadcast %mul3A_29 : i32 to vector<16xi32>
          %add3A_31 = arith.addi %iota3A, %add3A_30 : vector<16xi32>
          %mul3A_32 = arith.constant 16 : i32
          %mul3A_33 = arith.muli %scan3A_27, %mul3A_32 : i32
          %swap3A = arith.index_cast %mul3A_33 : i32 to index
          %swap3A_34 = tpu.vector_load %arg8[%swap3A] {strides = array<i32>} : memref<1024xi32, #tpu.memory_space<vmem>>, vector<16xi32>,
          tpu.vector_store %arg8[%swap3A], %add3A_31 {strides = array<i32>} : memref<1024xi32, #tpu.memory_space<vmem>>, vector<16xi32>,
        }
        %scan3A_26 = arith.constant 64 : i32
      } else {
      }
      %gt3A = arith.constant 0 : i32
      %gt3A_17 = arith.cmpi sgt, %reduce_sum3A_11, %gt3A : i32
      %convert_element_type3A_18 = arith.extui %gt3A_17 : i1 to i32
      %cond3A_19 = arith.constant 0 : i32
      %cond3A_20 = arith.cmpi ne, %convert_element_type3A_18, %cond3A_19 : i32
      scf.if %cond3A_20 {
        "tpu.region"() ({
          %run_scoped3A = tpu.sem_alloc : memref<!tpu.dma_semaphore, #tpu.memory_space<semaphore_mem>>
          tpu.enqueue_dma source(%arg2 : memref<32768xi32, #tpu.memory_space<hbm>>) target(%arg5 : memref<32768xi32, #tpu.memory_space<vmem>>) target_semaphore(%run_scoped3A : memref<!tpu.dma_semaphore, #tpu.memory_space<semaphore_mem>>)
          tpu.wait_dma2 semaphore(%run_scoped3A : memref<!tpu.dma_semaphore, #tpu.memory_space<semaphore_mem>>) src(%arg2 : memref<32768xi32, #tpu.memory_space<hbm>>) dst(%arg5 : memref<32768xi32, #tpu.memory_space<vmem>>)
          tpu.yield
        }) : () -> ()
        %scan3A_21 = arith.constant 0 : i32
        %scan3A_22 = arith.constant 0 : i32
        %scan3A_23 = arith.constant 64 : i32
        %scan3A_24 = arith.addi %scan3A_22, %scan3A_23 : i32
        %scan3A_25 = arith.constant 1 : i32
        scf.for %scan3A_55 = %scan3A_22 to %scan3A_24 step %scan3A_25  : i32 {
          %mul3A_56 = arith.constant 16 : i32
          %mul3A_57 = arith.muli %scan3A_55, %mul3A_56 : i32
          %add3A_58 = vector.broadcast %mul3A_57 : i32 to vector<16xi32>
          %add3A_59 = arith.addi %iota3A, %add3A_58 : vector<16xi32>
          %mul3A_60 = arith.constant 16 : i32
          %mul3A_61 = arith.muli %scan3A_55, %mul3A_60 : i32
          %swap3A = arith.index_cast %mul3A_61 : i32 to index
          %swap3A_62 = tpu.vector_load %arg7[%swap3A] {strides = array<i32>} : memref<1024xi32, #tpu.memory_space<vmem>>, vector<16xi32>,
          tpu.vector_store %arg7[%swap3A], %add3A_59 {strides = array<i32>} : memref<1024xi32, #tpu.memory_space<vmem>>, vector<16xi32>,
          %mul3A_63 = arith.constant 16 : i32
          %mul3A_64 = arith.muli %scan3A_55, %mul3A_63 : i32
          %swap3A_65 = arith.index_cast %mul3A_64 : i32 to index
          %swap3A_66 = tpu.vector_load %arg8[%swap3A_65] {strides = array<i32>} : memref<1024xi32, #tpu.memory_space<vmem>>, vector<16xi32>,
          tpu.vector_store %arg8[%swap3A_65], %broadcast_in_dim3A_3 {strides = array<i32>} : memref<1024xi32, #tpu.memory_space<vmem>>, vector<16xi32>,
        }
        %scan3A_26 = arith.constant 64 : i32
        %scan3A_27 = arith.constant 0 : i32
        %scan3A_28 = arith.constant 0 : i32
        %scan3A_29 = arith.constant 64 : i32
        %scan3A_30 = arith.addi %scan3A_28, %scan3A_29 : i32
        %scan3A_31 = arith.constant 1 : i32
        scf.for %scan3A_55 = %scan3A_28 to %scan3A_30 step %scan3A_31  : i32 {
          %mul3A_56 = arith.constant 16 : i32
          %mul3A_57 = arith.muli %scan3A_55, %mul3A_56 : i32
          %get3A = arith.index_cast %mul3A_57 : i32 to index
          %get3A_58 = tpu.vector_load %arg6[%get3A] {strides = array<i32>} : memref<1024xi32, #tpu.memory_space<vmem>>, vector<16xi32>,
          %ge3A = arith.constant 0 : i32
          %ge3A_59 = vector.broadcast %ge3A : i32 to vector<16xi32>
          %ge3A_60 = arith.cmpi sge, %get3A_58, %ge3A_59 : vector<16xi32>
          %convert_element_type3A_61 = arith.extui %ge3A_60 : vector<16xi1> to vector<16xi32>
          %reduce_sum3A_62 = arith.constant true
          %reduce_sum3A_63 = vector.broadcast %reduce_sum3A_62 : i1 to vector<16xi1>
          %reduce_sum3A_64 = tpu.scan <sum>, %convert_element_type3A_61 masked %reduce_sum3A_63 : vector<16xi32>, vector<16xi1> -> vector<16xi32>
          %reduce_sum3A_65 = vector.extract %reduce_sum3A_64[15] : i32 from vector<16xi32>
          %gt3A_66 = arith.constant 0 : i32
          %gt3A_67 = arith.cmpi sgt, %reduce_sum3A_65, %gt3A_66 : i32
          %convert_element_type3A_68 = arith.extui %gt3A_67 : i1 to i32
          %cond3A_69 = arith.constant 0 : i32
          %cond3A_70 = arith.cmpi ne, %convert_element_type3A_68, %cond3A_69 : i32
          scf.if %cond3A_70 {
            %scan3A_71 = arith.constant 0 : i32
            %scan3A_72 = arith.constant 0 : i32
            %scan3A_73 = arith.constant 16 : i32
            %scan3A_74 = arith.addi %scan3A_72, %scan3A_73 : i32
            %scan3A_75 = arith.constant 1 : i32
            scf.for %scan3A_77 = %scan3A_72 to %scan3A_74 step %scan3A_75  : i32 {
              %eq3A_78 = vector.broadcast %scan3A_77 : i32 to vector<16xi32>
              %eq3A_79 = arith.cmpi eq, %iota3A, %eq3A_78 : vector<16xi32>
              %jit3A = arith.constant 0 : i32
              %broadcast_in_dim3A_80 = vector.broadcast %jit3A : i32 to vector<16xi32>
              %select_n3A = arith.select %eq3A_79, %get3A_58, %broadcast_in_dim3A_80 : vector<16xi1>, vector<16xi32>
              %reduce_sum3A_81 = arith.constant true
              %reduce_sum3A_82 = vector.broadcast %reduce_sum3A_81 : i1 to vector<16xi1>
              %reduce_sum3A_83 = tpu.scan <sum>, %select_n3A masked %reduce_sum3A_82 : vector<16xi32>, vector<16xi1> -> vector<16xi32>
              %reduce_sum3A_84 = vector.extract %reduce_sum3A_83[15] : i32 from vector<16xi32>
              %ge3A_85 = arith.constant 0 : i32
              %ge3A_86 = arith.cmpi sge, %reduce_sum3A_84, %ge3A_85 : i32
              %convert_element_type3A_87 = arith.extui %ge3A_86 : i1 to i32
              %cond3A_88 = arith.constant 0 : i32
              %cond3A_89 = arith.cmpi ne, %convert_element_type3A_87, %cond3A_88 : i32
              scf.if %cond3A_89 {
                %mul3A_90 = arith.constant 16 : i32
                %mul3A_91 = arith.muli %scan3A_55, %mul3A_90 : i32
                %add3A_92 = arith.addi %mul3A_91, %scan3A_77 : i32
                %add3A_93 = vector.broadcast %add3A_92 : i32 to vector<16xi32>
                %add3A_94 = arith.addi %broadcast_in_dim3A_3, %add3A_93 : vector<16xi32>
                %gather3A = tpu.vector_load_idx %arg6[%add3A_94] : memref<1024xi32, #tpu.memory_space<vmem>>[vector<16xi32>], vector<16xi32>,
                %gather3A_95 = tpu.vector_load_idx %arg7[%add3A_94] : memref<1024xi32, #tpu.memory_space<vmem>>[vector<16xi32>], vector<16xi32>,
                %scan3A_96 = arith.constant 0 : i32
                %scan3A_97 = arith.constant 0 : i32
                %scan3A_98 = arith.constant 64 : i32
                %scan3A_99 = arith.addi %scan3A_97, %scan3A_98 : i32
                %scan3A_100 = arith.constant 1 : i32
                scf.for %scan3A_102 = %scan3A_97 to %scan3A_99 step %scan3A_100  : i32 {
                  %mul3A_103 = arith.constant 16 : i32
                  %mul3A_104 = arith.muli %scan3A_102, %mul3A_103 : i32
                  %get3A_105 = arith.index_cast %mul3A_104 : i32 to index
                  %get3A_106 = tpu.vector_load %arg7[%get3A_105] {strides = array<i32>} : memref<1024xi32, #tpu.memory_space<vmem>>, vector<16xi32>,
                  %shift_right_arithmetic3A = arith.constant 5 : i32
                  %shift_right_arithmetic3A_107 = vector.broadcast %shift_right_arithmetic3A : i32 to vector<16xi32>
                  %shift_right_arithmetic3A_108 = arith.shrsi %get3A_106, %shift_right_arithmetic3A_107 : vector<16xi32>
                  %shift_left3A = arith.constant 10 : i32
                  %shift_left3A_109 = vector.broadcast %shift_left3A : i32 to vector<16xi32>
                  %shift_left3A_110 = arith.shli %shift_right_arithmetic3A_108, %shift_left3A_109 : vector<16xi32>
                  %add3A_111 = arith.addi %shift_left3A_110, %add3A_94 : vector<16xi32>
                  %gather3A_112 = tpu.vector_load_idx %arg5[%add3A_111] : memref<32768xi32, #tpu.memory_space<vmem>>[vector<16xi32>], vector<16xi32>,
                  %and3A = arith.constant 31 : i32
                  %and3A_113 = vector.broadcast %and3A : i32 to vector<16xi32>
                  %and3A_114 = arith.andi %get3A_106, %and3A_113 : vector<16xi32>
                  %shift_right_arithmetic3A_115 = arith.shrsi %gather3A_112, %and3A_114 : vector<16xi32>
                  %and3A_116 = arith.constant 1 : i32
                  %and3A_117 = vector.broadcast %and3A_116 : i32 to vector<16xi32>
                  %and3A_118 = arith.andi %shift_right_arithmetic3A_115, %and3A_117 : vector<16xi32>
                  %gt3A_119 = arith.constant 0 : i32
                  %gt3A_120 = vector.broadcast %gt3A_119 : i32 to vector<16xi32>
                  %gt3A_121 = arith.cmpi sgt, %and3A_118, %gt3A_120 : vector<16xi32>
                  %eq3A_122 = arith.cmpi eq, %get3A_106, %gather3A_95 : vector<16xi32>
                  %or3A = arith.ori %gt3A_121, %eq3A_122 : vector<16xi1>
                  %select_n3A_123 = arith.select %or3A, %gather3A, %get3A_106 : vector<16xi1>, vector<16xi32>
                  %mul3A_124 = arith.constant 16 : i32
                  %mul3A_125 = arith.muli %scan3A_102, %mul3A_124 : i32
                  %swap3A = arith.index_cast %mul3A_125 : i32 to index
                  %swap3A_126 = tpu.vector_load %arg7[%swap3A] {strides = array<i32>} : memref<1024xi32, #tpu.memory_space<vmem>>, vector<16xi32>,
                  tpu.vector_store %arg7[%swap3A], %select_n3A_123 {strides = array<i32>} : memref<1024xi32, #tpu.memory_space<vmem>>, vector<16xi32>,
                }
                %scan3A_101 = arith.constant 64 : i32
              } else {
              }
            }
            %scan3A_76 = arith.constant 16 : i32
          } else {
          }
        }
        %scan3A_32 = arith.constant 64 : i32
        %add3A_33 = arith.constant 1 : i32
        %add3A_34 = vector.broadcast %add3A_33 : i32 to vector<16xi32>
        %add3A_35 = arith.addi %broadcast_in_dim3A_3, %add3A_34 : vector<16xi32>
        %scan3A_36 = arith.constant 0 : i32
        %scan3A_37 = arith.constant 0 : i32
        %scan3A_38 = arith.constant 64 : i32
        %scan3A_39 = arith.addi %scan3A_37, %scan3A_38 : i32
        %scan3A_40 = arith.constant 1 : i32
        scf.for %scan3A_55 = %scan3A_37 to %scan3A_39 step %scan3A_40  : i32 {
          %mul3A_56 = arith.constant 16 : i32
          %mul3A_57 = arith.muli %scan3A_55, %mul3A_56 : i32
          %get3A = arith.index_cast %mul3A_57 : i32 to index
          %get3A_58 = tpu.vector_load %arg7[%get3A] {strides = array<i32>} : memref<1024xi32, #tpu.memory_space<vmem>>, vector<16xi32>,
          tpu.vector_store_idx %arg8[%get3A_58], %add3A_35 : memref<1024xi32, #tpu.memory_space<vmem>>[vector<16xi32>], vector<16xi32>,
        }
        %scan3A_41 = arith.constant 64 : i32
        %scan3A_42 = arith.constant 0 : i32
        %scan3A_43 = arith.constant 0 : i32
        %scan3A_44 = arith.constant 64 : i32
        %scan3A_45 = arith.addi %scan3A_43, %scan3A_44 : i32
        %scan3A_46 = arith.constant 1 : i32
        %scan3A_47 = scf.for %scan3A_55 = %scan3A_43 to %scan3A_45 step %scan3A_46 iter_args(%scan3A_56 = %scan3A_42) -> (i32)  : i32 {
          %mul3A_57 = arith.constant 16 : i32
          %mul3A_58 = arith.muli %scan3A_55, %mul3A_57 : i32
          %get3A = arith.index_cast %mul3A_58 : i32 to index
          %get3A_59 = tpu.vector_load %arg8[%get3A] {strides = array<i32>} : memref<1024xi32, #tpu.memory_space<vmem>>, vector<16xi32>,
          %cumsum3A = arith.constant true
          %cumsum3A_60 = vector.broadcast %cumsum3A : i1 to vector<16xi1>
          %cumsum3A_61 = tpu.scan <sum>, %get3A_59 masked %cumsum3A_60 : vector<16xi32>, vector<16xi1> -> vector<16xi32>
          %sub3A = arith.constant 1 : i32
          %sub3A_62 = arith.subi %scan3A_56, %sub3A : i32
          %add3A_63 = vector.broadcast %sub3A_62 : i32 to vector<16xi32>
          %add3A_64 = arith.addi %cumsum3A_61, %add3A_63 : vector<16xi32>
          %mul3A_65 = arith.constant 16 : i32
          %mul3A_66 = arith.muli %scan3A_55, %mul3A_65 : i32
          %swap3A = arith.index_cast %mul3A_66 : i32 to index
          %swap3A_67 = tpu.vector_load %arg9[%swap3A] {strides = array<i32>} : memref<1024xi32, #tpu.memory_space<vmem>>, vector<16xi32>,
          tpu.vector_store %arg9[%swap3A], %add3A_64 {strides = array<i32>} : memref<1024xi32, #tpu.memory_space<vmem>>, vector<16xi32>,
          %reduce_sum3A_68 = arith.constant true
          %reduce_sum3A_69 = vector.broadcast %reduce_sum3A_68 : i1 to vector<16xi1>
          %reduce_sum3A_70 = tpu.scan <sum>, %get3A_59 masked %reduce_sum3A_69 : vector<16xi32>, vector<16xi1> -> vector<16xi32>
          %reduce_sum3A_71 = vector.extract %reduce_sum3A_70[15] : i32 from vector<16xi32>
          %add3A_72 = arith.addi %scan3A_56, %reduce_sum3A_71 : i32
          scf.yield %add3A_72 : i32
        }
        %scan3A_48 = arith.constant 64 : i32
        %scan3A_49 = arith.constant 0 : i32
        %scan3A_50 = arith.constant 0 : i32
        %scan3A_51 = arith.constant 64 : i32
        %scan3A_52 = arith.addi %scan3A_50, %scan3A_51 : i32
        %scan3A_53 = arith.constant 1 : i32
        scf.for %scan3A_55 = %scan3A_50 to %scan3A_52 step %scan3A_53  : i32 {
          %mul3A_56 = arith.constant 16 : i32
          %mul3A_57 = arith.muli %scan3A_55, %mul3A_56 : i32
          %get3A = arith.index_cast %mul3A_57 : i32 to index
          %get3A_58 = tpu.vector_load %arg7[%get3A] {strides = array<i32>} : memref<1024xi32, #tpu.memory_space<vmem>>, vector<16xi32>,
          %gather3A = tpu.vector_load_idx %arg9[%get3A_58] : memref<1024xi32, #tpu.memory_space<vmem>>[vector<16xi32>], vector<16xi32>,
          %mul3A_59 = arith.constant 16 : i32
          %mul3A_60 = arith.muli %scan3A_55, %mul3A_59 : i32
          %swap3A = arith.index_cast %mul3A_60 : i32 to index
          %swap3A_61 = tpu.vector_load %arg8[%swap3A] {strides = array<i32>} : memref<1024xi32, #tpu.memory_space<vmem>>, vector<16xi32>,
          tpu.vector_store %arg8[%swap3A], %gather3A {strides = array<i32>} : memref<1024xi32, #tpu.memory_space<vmem>>, vector<16xi32>,
        }
        %scan3A_54 = arith.constant 64 : i32
      } else {
      }
      "tpu.region"() ({
        %run_scoped3A = tpu.sem_alloc : memref<!tpu.dma_semaphore, #tpu.memory_space<semaphore_mem>>
        tpu.enqueue_dma source(%arg8 : memref<1024xi32, #tpu.memory_space<vmem>>) target(%arg4 : memref<1024xi32, #tpu.memory_space<hbm>>) target_semaphore(%run_scoped3A : memref<!tpu.dma_semaphore, #tpu.memory_space<semaphore_mem>>)
        tpu.wait_dma2 semaphore(%run_scoped3A : memref<!tpu.dma_semaphore, #tpu.memory_space<semaphore_mem>>) src(%arg8 : memref<1024xi32, #tpu.memory_space<vmem>>) dst(%arg4 : memref<1024xi32, #tpu.memory_space<hbm>>)
        tpu.yield
      }) : () -> ()
    } else {
    }
    return
  }
}

module attributes {stable_mosaic.version = 14 : i64} {
  func.func @_tc_body(%arg0: memref<16x1024xf32, #tpu.memory_space<vmem>>, %arg1: memref<16x1024xf32, #tpu.memory_space<vmem>>, %arg2: memref<32x1024xi32, #tpu.memory_space<vmem>>, %arg3: memref<1x1024xi32, #tpu.memory_space<vmem>>, %arg4: memref<16x1024xf32, #tpu.memory_space<vmem>>, %arg5: memref<1024x1024xf32, #tpu.memory_space<vmem>>) attributes {dimension_semantics = [], scalar_prefetch = 0 : i64, scratch_operands = 1 : i64, tpu.core_type = #tpu.core_type<tc>} {
    %get3A = arith.constant 0 : index
    %get3A_0 = arith.constant 0 : index
    %get3A_1 = vector.load %arg0[%get3A, %get3A_0] : memref<16x1024xf32, #tpu.memory_space<vmem>>, vector<16x1024xf32>
    %transpose3A = tpu.transpose %get3A_1, [1, 0] : vector<16x1024xf32> -> vector<1024x16xf32>
    %broadcast_in_dim3A = arith.constant 0.000000e+00 : f32
    %broadcast_in_dim3A_2 = vector.broadcast %broadcast_in_dim3A : f32 to vector<256x256xf32>
    %slice3A = vector.extract_strided_slice %transpose3A {offsets = [0, 0], sizes = [256, 16], strides = [1, 1]} : vector<1024x16xf32> to vector<256x16xf32>
    %slice3A_3 = vector.extract_strided_slice %slice3A {offsets = [0, 0], sizes = [256, 1], strides = [1, 1]} : vector<256x16xf32> to vector<256x1xf32>
    %slice3A_4 = vector.extract_strided_slice %get3A_1 {offsets = [0, 0], sizes = [1, 256], strides = [1, 1]} : vector<16x1024xf32> to vector<1x256xf32>
    %sub3A = vector.broadcast %slice3A_3 : vector<256x1xf32> to vector<256x256xf32>
    %sub3A_5 = vector.broadcast %slice3A_4 : vector<1x256xf32> to vector<256x256xf32>
    %sub3A_6 = arith.subf %sub3A, %sub3A_5 : vector<256x256xf32>
    %slice3A_7 = vector.extract_strided_slice %slice3A {offsets = [0, 8], sizes = [256, 1], strides = [1, 1]} : vector<256x16xf32> to vector<256x1xf32>
    %slice3A_8 = vector.extract_strided_slice %get3A_1 {offsets = [8, 0], sizes = [1, 256], strides = [1, 1]} : vector<16x1024xf32> to vector<1x256xf32>
    %sub3A_9 = vector.broadcast %slice3A_7 : vector<256x1xf32> to vector<256x256xf32>
    %sub3A_10 = vector.broadcast %slice3A_8 : vector<1x256xf32> to vector<256x256xf32>
    %sub3A_11 = arith.subf %sub3A_9, %sub3A_10 : vector<256x256xf32>
    %mul3A = arith.mulf %sub3A_6, %sub3A_6 : vector<256x256xf32>
    %mul3A_12 = arith.mulf %sub3A_11, %sub3A_11 : vector<256x256xf32>
    %add3A = arith.addf %mul3A, %mul3A_12 : vector<256x256xf32>
    %sqrt3A = math.sqrt %add3A : vector<256x256xf32>
    %add3A_13 = arith.addf %broadcast_in_dim3A_2, %sqrt3A : vector<256x256xf32>
    %slice3A_14 = vector.extract_strided_slice %slice3A {offsets = [0, 1], sizes = [256, 1], strides = [1, 1]} : vector<256x16xf32> to vector<256x1xf32>
    %slice3A_15 = vector.extract_strided_slice %get3A_1 {offsets = [1, 0], sizes = [1, 256], strides = [1, 1]} : vector<16x1024xf32> to vector<1x256xf32>
    %sub3A_16 = vector.broadcast %slice3A_14 : vector<256x1xf32> to vector<256x256xf32>
    %sub3A_17 = vector.broadcast %slice3A_15 : vector<1x256xf32> to vector<256x256xf32>
    %sub3A_18 = arith.subf %sub3A_16, %sub3A_17 : vector<256x256xf32>
    %slice3A_19 = vector.extract_strided_slice %slice3A {offsets = [0, 9], sizes = [256, 1], strides = [1, 1]} : vector<256x16xf32> to vector<256x1xf32>
    %slice3A_20 = vector.extract_strided_slice %get3A_1 {offsets = [9, 0], sizes = [1, 256], strides = [1, 1]} : vector<16x1024xf32> to vector<1x256xf32>
    %sub3A_21 = vector.broadcast %slice3A_19 : vector<256x1xf32> to vector<256x256xf32>
    %sub3A_22 = vector.broadcast %slice3A_20 : vector<1x256xf32> to vector<256x256xf32>
    %sub3A_23 = arith.subf %sub3A_21, %sub3A_22 : vector<256x256xf32>
    %mul3A_24 = arith.mulf %sub3A_18, %sub3A_18 : vector<256x256xf32>
    %mul3A_25 = arith.mulf %sub3A_23, %sub3A_23 : vector<256x256xf32>
    %add3A_26 = arith.addf %mul3A_24, %mul3A_25 : vector<256x256xf32>
    %sqrt3A_27 = math.sqrt %add3A_26 : vector<256x256xf32>
    %add3A_28 = arith.addf %add3A_13, %sqrt3A_27 : vector<256x256xf32>
    %slice3A_29 = vector.extract_strided_slice %slice3A {offsets = [0, 2], sizes = [256, 1], strides = [1, 1]} : vector<256x16xf32> to vector<256x1xf32>
    %slice3A_30 = vector.extract_strided_slice %get3A_1 {offsets = [2, 0], sizes = [1, 256], strides = [1, 1]} : vector<16x1024xf32> to vector<1x256xf32>
    %sub3A_31 = vector.broadcast %slice3A_29 : vector<256x1xf32> to vector<256x256xf32>
    %sub3A_32 = vector.broadcast %slice3A_30 : vector<1x256xf32> to vector<256x256xf32>
    %sub3A_33 = arith.subf %sub3A_31, %sub3A_32 : vector<256x256xf32>
    %slice3A_34 = vector.extract_strided_slice %slice3A {offsets = [0, 10], sizes = [256, 1], strides = [1, 1]} : vector<256x16xf32> to vector<256x1xf32>
    %slice3A_35 = vector.extract_strided_slice %get3A_1 {offsets = [10, 0], sizes = [1, 256], strides = [1, 1]} : vector<16x1024xf32> to vector<1x256xf32>
    %sub3A_36 = vector.broadcast %slice3A_34 : vector<256x1xf32> to vector<256x256xf32>
    %sub3A_37 = vector.broadcast %slice3A_35 : vector<1x256xf32> to vector<256x256xf32>
    %sub3A_38 = arith.subf %sub3A_36, %sub3A_37 : vector<256x256xf32>
    %mul3A_39 = arith.mulf %sub3A_33, %sub3A_33 : vector<256x256xf32>
    %mul3A_40 = arith.mulf %sub3A_38, %sub3A_38 : vector<256x256xf32>
    %add3A_41 = arith.addf %mul3A_39, %mul3A_40 : vector<256x256xf32>
    %sqrt3A_42 = math.sqrt %add3A_41 : vector<256x256xf32>
    %add3A_43 = arith.addf %add3A_28, %sqrt3A_42 : vector<256x256xf32>
    %slice3A_44 = vector.extract_strided_slice %slice3A {offsets = [0, 3], sizes = [256, 1], strides = [1, 1]} : vector<256x16xf32> to vector<256x1xf32>
    %slice3A_45 = vector.extract_strided_slice %get3A_1 {offsets = [3, 0], sizes = [1, 256], strides = [1, 1]} : vector<16x1024xf32> to vector<1x256xf32>
    %sub3A_46 = vector.broadcast %slice3A_44 : vector<256x1xf32> to vector<256x256xf32>
    %sub3A_47 = vector.broadcast %slice3A_45 : vector<1x256xf32> to vector<256x256xf32>
    %sub3A_48 = arith.subf %sub3A_46, %sub3A_47 : vector<256x256xf32>
    %slice3A_49 = vector.extract_strided_slice %slice3A {offsets = [0, 11], sizes = [256, 1], strides = [1, 1]} : vector<256x16xf32> to vector<256x1xf32>
    %slice3A_50 = vector.extract_strided_slice %get3A_1 {offsets = [11, 0], sizes = [1, 256], strides = [1, 1]} : vector<16x1024xf32> to vector<1x256xf32>
    %sub3A_51 = vector.broadcast %slice3A_49 : vector<256x1xf32> to vector<256x256xf32>
    %sub3A_52 = vector.broadcast %slice3A_50 : vector<1x256xf32> to vector<256x256xf32>
    %sub3A_53 = arith.subf %sub3A_51, %sub3A_52 : vector<256x256xf32>
    %mul3A_54 = arith.mulf %sub3A_48, %sub3A_48 : vector<256x256xf32>
    %mul3A_55 = arith.mulf %sub3A_53, %sub3A_53 : vector<256x256xf32>
    %add3A_56 = arith.addf %mul3A_54, %mul3A_55 : vector<256x256xf32>
    %sqrt3A_57 = math.sqrt %add3A_56 : vector<256x256xf32>
    %add3A_58 = arith.addf %add3A_43, %sqrt3A_57 : vector<256x256xf32>
    %slice3A_59 = vector.extract_strided_slice %slice3A {offsets = [0, 4], sizes = [256, 1], strides = [1, 1]} : vector<256x16xf32> to vector<256x1xf32>
    %slice3A_60 = vector.extract_strided_slice %get3A_1 {offsets = [4, 0], sizes = [1, 256], strides = [1, 1]} : vector<16x1024xf32> to vector<1x256xf32>
    %sub3A_61 = vector.broadcast %slice3A_59 : vector<256x1xf32> to vector<256x256xf32>
    %sub3A_62 = vector.broadcast %slice3A_60 : vector<1x256xf32> to vector<256x256xf32>
    %sub3A_63 = arith.subf %sub3A_61, %sub3A_62 : vector<256x256xf32>
    %slice3A_64 = vector.extract_strided_slice %slice3A {offsets = [0, 12], sizes = [256, 1], strides = [1, 1]} : vector<256x16xf32> to vector<256x1xf32>
    %slice3A_65 = vector.extract_strided_slice %get3A_1 {offsets = [12, 0], sizes = [1, 256], strides = [1, 1]} : vector<16x1024xf32> to vector<1x256xf32>
    %sub3A_66 = vector.broadcast %slice3A_64 : vector<256x1xf32> to vector<256x256xf32>
    %sub3A_67 = vector.broadcast %slice3A_65 : vector<1x256xf32> to vector<256x256xf32>
    %sub3A_68 = arith.subf %sub3A_66, %sub3A_67 : vector<256x256xf32>
    %mul3A_69 = arith.mulf %sub3A_63, %sub3A_63 : vector<256x256xf32>
    %mul3A_70 = arith.mulf %sub3A_68, %sub3A_68 : vector<256x256xf32>
    %add3A_71 = arith.addf %mul3A_69, %mul3A_70 : vector<256x256xf32>
    %sqrt3A_72 = math.sqrt %add3A_71 : vector<256x256xf32>
    %add3A_73 = arith.addf %add3A_58, %sqrt3A_72 : vector<256x256xf32>
    %slice3A_74 = vector.extract_strided_slice %slice3A {offsets = [0, 5], sizes = [256, 1], strides = [1, 1]} : vector<256x16xf32> to vector<256x1xf32>
    %slice3A_75 = vector.extract_strided_slice %get3A_1 {offsets = [5, 0], sizes = [1, 256], strides = [1, 1]} : vector<16x1024xf32> to vector<1x256xf32>
    %sub3A_76 = vector.broadcast %slice3A_74 : vector<256x1xf32> to vector<256x256xf32>
    %sub3A_77 = vector.broadcast %slice3A_75 : vector<1x256xf32> to vector<256x256xf32>
    %sub3A_78 = arith.subf %sub3A_76, %sub3A_77 : vector<256x256xf32>
    %slice3A_79 = vector.extract_strided_slice %slice3A {offsets = [0, 13], sizes = [256, 1], strides = [1, 1]} : vector<256x16xf32> to vector<256x1xf32>
    %slice3A_80 = vector.extract_strided_slice %get3A_1 {offsets = [13, 0], sizes = [1, 256], strides = [1, 1]} : vector<16x1024xf32> to vector<1x256xf32>
    %sub3A_81 = vector.broadcast %slice3A_79 : vector<256x1xf32> to vector<256x256xf32>
    %sub3A_82 = vector.broadcast %slice3A_80 : vector<1x256xf32> to vector<256x256xf32>
    %sub3A_83 = arith.subf %sub3A_81, %sub3A_82 : vector<256x256xf32>
    %mul3A_84 = arith.mulf %sub3A_78, %sub3A_78 : vector<256x256xf32>
    %mul3A_85 = arith.mulf %sub3A_83, %sub3A_83 : vector<256x256xf32>
    %add3A_86 = arith.addf %mul3A_84, %mul3A_85 : vector<256x256xf32>
    %sqrt3A_87 = math.sqrt %add3A_86 : vector<256x256xf32>
    %add3A_88 = arith.addf %add3A_73, %sqrt3A_87 : vector<256x256xf32>
    %slice3A_89 = vector.extract_strided_slice %slice3A {offsets = [0, 6], sizes = [256, 1], strides = [1, 1]} : vector<256x16xf32> to vector<256x1xf32>
    %slice3A_90 = vector.extract_strided_slice %get3A_1 {offsets = [6, 0], sizes = [1, 256], strides = [1, 1]} : vector<16x1024xf32> to vector<1x256xf32>
    %sub3A_91 = vector.broadcast %slice3A_89 : vector<256x1xf32> to vector<256x256xf32>
    %sub3A_92 = vector.broadcast %slice3A_90 : vector<1x256xf32> to vector<256x256xf32>
    %sub3A_93 = arith.subf %sub3A_91, %sub3A_92 : vector<256x256xf32>
    %slice3A_94 = vector.extract_strided_slice %slice3A {offsets = [0, 14], sizes = [256, 1], strides = [1, 1]} : vector<256x16xf32> to vector<256x1xf32>
    %slice3A_95 = vector.extract_strided_slice %get3A_1 {offsets = [14, 0], sizes = [1, 256], strides = [1, 1]} : vector<16x1024xf32> to vector<1x256xf32>
    %sub3A_96 = vector.broadcast %slice3A_94 : vector<256x1xf32> to vector<256x256xf32>
    %sub3A_97 = vector.broadcast %slice3A_95 : vector<1x256xf32> to vector<256x256xf32>
    %sub3A_98 = arith.subf %sub3A_96, %sub3A_97 : vector<256x256xf32>
    %mul3A_99 = arith.mulf %sub3A_93, %sub3A_93 : vector<256x256xf32>
    %mul3A_100 = arith.mulf %sub3A_98, %sub3A_98 : vector<256x256xf32>
    %add3A_101 = arith.addf %mul3A_99, %mul3A_100 : vector<256x256xf32>
    %sqrt3A_102 = math.sqrt %add3A_101 : vector<256x256xf32>
    %add3A_103 = arith.addf %add3A_88, %sqrt3A_102 : vector<256x256xf32>
    %slice3A_104 = vector.extract_strided_slice %slice3A {offsets = [0, 7], sizes = [256, 1], strides = [1, 1]} : vector<256x16xf32> to vector<256x1xf32>
    %slice3A_105 = vector.extract_strided_slice %get3A_1 {offsets = [7, 0], sizes = [1, 256], strides = [1, 1]} : vector<16x1024xf32> to vector<1x256xf32>
    %sub3A_106 = vector.broadcast %slice3A_104 : vector<256x1xf32> to vector<256x256xf32>
    %sub3A_107 = vector.broadcast %slice3A_105 : vector<1x256xf32> to vector<256x256xf32>
    %sub3A_108 = arith.subf %sub3A_106, %sub3A_107 : vector<256x256xf32>
    %slice3A_109 = vector.extract_strided_slice %slice3A {offsets = [0, 15], sizes = [256, 1], strides = [1, 1]} : vector<256x16xf32> to vector<256x1xf32>
    %slice3A_110 = vector.extract_strided_slice %get3A_1 {offsets = [15, 0], sizes = [1, 256], strides = [1, 1]} : vector<16x1024xf32> to vector<1x256xf32>
    %sub3A_111 = vector.broadcast %slice3A_109 : vector<256x1xf32> to vector<256x256xf32>
    %sub3A_112 = vector.broadcast %slice3A_110 : vector<1x256xf32> to vector<256x256xf32>
    %sub3A_113 = arith.subf %sub3A_111, %sub3A_112 : vector<256x256xf32>
    %mul3A_114 = arith.mulf %sub3A_108, %sub3A_108 : vector<256x256xf32>
    %mul3A_115 = arith.mulf %sub3A_113, %sub3A_113 : vector<256x256xf32>
    %add3A_116 = arith.addf %mul3A_114, %mul3A_115 : vector<256x256xf32>
    %sqrt3A_117 = math.sqrt %add3A_116 : vector<256x256xf32>
    %add3A_118 = arith.addf %add3A_103, %sqrt3A_117 : vector<256x256xf32>
    %swap3A = arith.constant 0 : index
    %swap3A_119 = arith.constant 0 : index
    %swap3A_120 = vector.load %arg5[%swap3A, %swap3A_119] : memref<1024x1024xf32, #tpu.memory_space<vmem>>, vector<256x256xf32>
    tpu.vector_store %arg5[%swap3A, %swap3A_119], %add3A_118 {strides = array<i32>} : memref<1024x1024xf32, #tpu.memory_space<vmem>>, vector<256x256xf32>,
    %broadcast_in_dim3A_121 = arith.constant 0.000000e+00 : f32
    %broadcast_in_dim3A_122 = vector.broadcast %broadcast_in_dim3A_121 : f32 to vector<256x256xf32>
    %slice3A_123 = vector.extract_strided_slice %transpose3A {offsets = [256, 0], sizes = [256, 16], strides = [1, 1]} : vector<1024x16xf32> to vector<256x16xf32>
    %slice3A_124 = vector.extract_strided_slice %slice3A_123 {offsets = [0, 0], sizes = [256, 1], strides = [1, 1]} : vector<256x16xf32> to vector<256x1xf32>
    %slice3A_125 = vector.extract_strided_slice %get3A_1 {offsets = [0, 0], sizes = [1, 256], strides = [1, 1]} : vector<16x1024xf32> to vector<1x256xf32>
    %sub3A_126 = vector.broadcast %slice3A_124 : vector<256x1xf32> to vector<256x256xf32>
    %sub3A_127 = vector.broadcast %slice3A_125 : vector<1x256xf32> to vector<256x256xf32>
    %sub3A_128 = arith.subf %sub3A_126, %sub3A_127 : vector<256x256xf32>
    %slice3A_129 = vector.extract_strided_slice %slice3A_123 {offsets = [0, 8], sizes = [256, 1], strides = [1, 1]} : vector<256x16xf32> to vector<256x1xf32>
    %slice3A_130 = vector.extract_strided_slice %get3A_1 {offsets = [8, 0], sizes = [1, 256], strides = [1, 1]} : vector<16x1024xf32> to vector<1x256xf32>
    %sub3A_131 = vector.broadcast %slice3A_129 : vector<256x1xf32> to vector<256x256xf32>
    %sub3A_132 = vector.broadcast %slice3A_130 : vector<1x256xf32> to vector<256x256xf32>
    %sub3A_133 = arith.subf %sub3A_131, %sub3A_132 : vector<256x256xf32>
    %mul3A_134 = arith.mulf %sub3A_128, %sub3A_128 : vector<256x256xf32>
    %mul3A_135 = arith.mulf %sub3A_133, %sub3A_133 : vector<256x256xf32>
    %add3A_136 = arith.addf %mul3A_134, %mul3A_135 : vector<256x256xf32>
    %sqrt3A_137 = math.sqrt %add3A_136 : vector<256x256xf32>
    %add3A_138 = arith.addf %broadcast_in_dim3A_122, %sqrt3A_137 : vector<256x256xf32>
    %slice3A_139 = vector.extract_strided_slice %slice3A_123 {offsets = [0, 1], sizes = [256, 1], strides = [1, 1]} : vector<256x16xf32> to vector<256x1xf32>
    %slice3A_140 = vector.extract_strided_slice %get3A_1 {offsets = [1, 0], sizes = [1, 256], strides = [1, 1]} : vector<16x1024xf32> to vector<1x256xf32>
    %sub3A_141 = vector.broadcast %slice3A_139 : vector<256x1xf32> to vector<256x256xf32>
    %sub3A_142 = vector.broadcast %slice3A_140 : vector<1x256xf32> to vector<256x256xf32>
    %sub3A_143 = arith.subf %sub3A_141, %sub3A_142 : vector<256x256xf32>
    %slice3A_144 = vector.extract_strided_slice %slice3A_123 {offsets = [0, 9], sizes = [256, 1], strides = [1, 1]} : vector<256x16xf32> to vector<256x1xf32>
    %slice3A_145 = vector.extract_strided_slice %get3A_1 {offsets = [9, 0], sizes = [1, 256], strides = [1, 1]} : vector<16x1024xf32> to vector<1x256xf32>
    %sub3A_146 = vector.broadcast %slice3A_144 : vector<256x1xf32> to vector<256x256xf32>
    %sub3A_147 = vector.broadcast %slice3A_145 : vector<1x256xf32> to vector<256x256xf32>
    %sub3A_148 = arith.subf %sub3A_146, %sub3A_147 : vector<256x256xf32>
    %mul3A_149 = arith.mulf %sub3A_143, %sub3A_143 : vector<256x256xf32>
    %mul3A_150 = arith.mulf %sub3A_148, %sub3A_148 : vector<256x256xf32>
    %add3A_151 = arith.addf %mul3A_149, %mul3A_150 : vector<256x256xf32>
    %sqrt3A_152 = math.sqrt %add3A_151 : vector<256x256xf32>
    %add3A_153 = arith.addf %add3A_138, %sqrt3A_152 : vector<256x256xf32>
    %slice3A_154 = vector.extract_strided_slice %slice3A_123 {offsets = [0, 2], sizes = [256, 1], strides = [1, 1]} : vector<256x16xf32> to vector<256x1xf32>
    %slice3A_155 = vector.extract_strided_slice %get3A_1 {offsets = [2, 0], sizes = [1, 256], strides = [1, 1]} : vector<16x1024xf32> to vector<1x256xf32>
    %sub3A_156 = vector.broadcast %slice3A_154 : vector<256x1xf32> to vector<256x256xf32>
    %sub3A_157 = vector.broadcast %slice3A_155 : vector<1x256xf32> to vector<256x256xf32>
    %sub3A_158 = arith.subf %sub3A_156, %sub3A_157 : vector<256x256xf32>
    %slice3A_159 = vector.extract_strided_slice %slice3A_123 {offsets = [0, 10], sizes = [256, 1], strides = [1, 1]} : vector<256x16xf32> to vector<256x1xf32>
    %slice3A_160 = vector.extract_strided_slice %get3A_1 {offsets = [10, 0], sizes = [1, 256], strides = [1, 1]} : vector<16x1024xf32> to vector<1x256xf32>
    %sub3A_161 = vector.broadcast %slice3A_159 : vector<256x1xf32> to vector<256x256xf32>
    %sub3A_162 = vector.broadcast %slice3A_160 : vector<1x256xf32> to vector<256x256xf32>
    %sub3A_163 = arith.subf %sub3A_161, %sub3A_162 : vector<256x256xf32>
    %mul3A_164 = arith.mulf %sub3A_158, %sub3A_158 : vector<256x256xf32>
    %mul3A_165 = arith.mulf %sub3A_163, %sub3A_163 : vector<256x256xf32>
    %add3A_166 = arith.addf %mul3A_164, %mul3A_165 : vector<256x256xf32>
    %sqrt3A_167 = math.sqrt %add3A_166 : vector<256x256xf32>
    %add3A_168 = arith.addf %add3A_153, %sqrt3A_167 : vector<256x256xf32>
    %slice3A_169 = vector.extract_strided_slice %slice3A_123 {offsets = [0, 3], sizes = [256, 1], strides = [1, 1]} : vector<256x16xf32> to vector<256x1xf32>
    %slice3A_170 = vector.extract_strided_slice %get3A_1 {offsets = [3, 0], sizes = [1, 256], strides = [1, 1]} : vector<16x1024xf32> to vector<1x256xf32>
    %sub3A_171 = vector.broadcast %slice3A_169 : vector<256x1xf32> to vector<256x256xf32>
    %sub3A_172 = vector.broadcast %slice3A_170 : vector<1x256xf32> to vector<256x256xf32>
    %sub3A_173 = arith.subf %sub3A_171, %sub3A_172 : vector<256x256xf32>
    %slice3A_174 = vector.extract_strided_slice %slice3A_123 {offsets = [0, 11], sizes = [256, 1], strides = [1, 1]} : vector<256x16xf32> to vector<256x1xf32>
    %slice3A_175 = vector.extract_strided_slice %get3A_1 {offsets = [11, 0], sizes = [1, 256], strides = [1, 1]} : vector<16x1024xf32> to vector<1x256xf32>
    %sub3A_176 = vector.broadcast %slice3A_174 : vector<256x1xf32> to vector<256x256xf32>
    %sub3A_177 = vector.broadcast %slice3A_175 : vector<1x256xf32> to vector<256x256xf32>
    %sub3A_178 = arith.subf %sub3A_176, %sub3A_177 : vector<256x256xf32>
    %mul3A_179 = arith.mulf %sub3A_173, %sub3A_173 : vector<256x256xf32>
    %mul3A_180 = arith.mulf %sub3A_178, %sub3A_178 : vector<256x256xf32>
    %add3A_181 = arith.addf %mul3A_179, %mul3A_180 : vector<256x256xf32>
    %sqrt3A_182 = math.sqrt %add3A_181 : vector<256x256xf32>
    %add3A_183 = arith.addf %add3A_168, %sqrt3A_182 : vector<256x256xf32>
    %slice3A_184 = vector.extract_strided_slice %slice3A_123 {offsets = [0, 4], sizes = [256, 1], strides = [1, 1]} : vector<256x16xf32> to vector<256x1xf32>
    %slice3A_185 = vector.extract_strided_slice %get3A_1 {offsets = [4, 0], sizes = [1, 256], strides = [1, 1]} : vector<16x1024xf32> to vector<1x256xf32>
    %sub3A_186 = vector.broadcast %slice3A_184 : vector<256x1xf32> to vector<256x256xf32>
    %sub3A_187 = vector.broadcast %slice3A_185 : vector<1x256xf32> to vector<256x256xf32>
    %sub3A_188 = arith.subf %sub3A_186, %sub3A_187 : vector<256x256xf32>
    %slice3A_189 = vector.extract_strided_slice %slice3A_123 {offsets = [0, 12], sizes = [256, 1], strides = [1, 1]} : vector<256x16xf32> to vector<256x1xf32>
    %slice3A_190 = vector.extract_strided_slice %get3A_1 {offsets = [12, 0], sizes = [1, 256], strides = [1, 1]} : vector<16x1024xf32> to vector<1x256xf32>
    %sub3A_191 = vector.broadcast %slice3A_189 : vector<256x1xf32> to vector<256x256xf32>
    %sub3A_192 = vector.broadcast %slice3A_190 : vector<1x256xf32> to vector<256x256xf32>
    %sub3A_193 = arith.subf %sub3A_191, %sub3A_192 : vector<256x256xf32>
    %mul3A_194 = arith.mulf %sub3A_188, %sub3A_188 : vector<256x256xf32>
    %mul3A_195 = arith.mulf %sub3A_193, %sub3A_193 : vector<256x256xf32>
    %add3A_196 = arith.addf %mul3A_194, %mul3A_195 : vector<256x256xf32>
    %sqrt3A_197 = math.sqrt %add3A_196 : vector<256x256xf32>
    %add3A_198 = arith.addf %add3A_183, %sqrt3A_197 : vector<256x256xf32>
    %slice3A_199 = vector.extract_strided_slice %slice3A_123 {offsets = [0, 5], sizes = [256, 1], strides = [1, 1]} : vector<256x16xf32> to vector<256x1xf32>
    %slice3A_200 = vector.extract_strided_slice %get3A_1 {offsets = [5, 0], sizes = [1, 256], strides = [1, 1]} : vector<16x1024xf32> to vector<1x256xf32>
    %sub3A_201 = vector.broadcast %slice3A_199 : vector<256x1xf32> to vector<256x256xf32>
    %sub3A_202 = vector.broadcast %slice3A_200 : vector<1x256xf32> to vector<256x256xf32>
    %sub3A_203 = arith.subf %sub3A_201, %sub3A_202 : vector<256x256xf32>
    %slice3A_204 = vector.extract_strided_slice %slice3A_123 {offsets = [0, 13], sizes = [256, 1], strides = [1, 1]} : vector<256x16xf32> to vector<256x1xf32>
    %slice3A_205 = vector.extract_strided_slice %get3A_1 {offsets = [13, 0], sizes = [1, 256], strides = [1, 1]} : vector<16x1024xf32> to vector<1x256xf32>
    %sub3A_206 = vector.broadcast %slice3A_204 : vector<256x1xf32> to vector<256x256xf32>
    %sub3A_207 = vector.broadcast %slice3A_205 : vector<1x256xf32> to vector<256x256xf32>
    %sub3A_208 = arith.subf %sub3A_206, %sub3A_207 : vector<256x256xf32>
    %mul3A_209 = arith.mulf %sub3A_203, %sub3A_203 : vector<256x256xf32>
    %mul3A_210 = arith.mulf %sub3A_208, %sub3A_208 : vector<256x256xf32>
    %add3A_211 = arith.addf %mul3A_209, %mul3A_210 : vector<256x256xf32>
    %sqrt3A_212 = math.sqrt %add3A_211 : vector<256x256xf32>
    %add3A_213 = arith.addf %add3A_198, %sqrt3A_212 : vector<256x256xf32>
    %slice3A_214 = vector.extract_strided_slice %slice3A_123 {offsets = [0, 6], sizes = [256, 1], strides = [1, 1]} : vector<256x16xf32> to vector<256x1xf32>
    %slice3A_215 = vector.extract_strided_slice %get3A_1 {offsets = [6, 0], sizes = [1, 256], strides = [1, 1]} : vector<16x1024xf32> to vector<1x256xf32>
    %sub3A_216 = vector.broadcast %slice3A_214 : vector<256x1xf32> to vector<256x256xf32>
    %sub3A_217 = vector.broadcast %slice3A_215 : vector<1x256xf32> to vector<256x256xf32>
    %sub3A_218 = arith.subf %sub3A_216, %sub3A_217 : vector<256x256xf32>
    %slice3A_219 = vector.extract_strided_slice %slice3A_123 {offsets = [0, 14], sizes = [256, 1], strides = [1, 1]} : vector<256x16xf32> to vector<256x1xf32>
    %slice3A_220 = vector.extract_strided_slice %get3A_1 {offsets = [14, 0], sizes = [1, 256], strides = [1, 1]} : vector<16x1024xf32> to vector<1x256xf32>
    %sub3A_221 = vector.broadcast %slice3A_219 : vector<256x1xf32> to vector<256x256xf32>
    %sub3A_222 = vector.broadcast %slice3A_220 : vector<1x256xf32> to vector<256x256xf32>
    %sub3A_223 = arith.subf %sub3A_221, %sub3A_222 : vector<256x256xf32>
    %mul3A_224 = arith.mulf %sub3A_218, %sub3A_218 : vector<256x256xf32>
    %mul3A_225 = arith.mulf %sub3A_223, %sub3A_223 : vector<256x256xf32>
    %add3A_226 = arith.addf %mul3A_224, %mul3A_225 : vector<256x256xf32>
    %sqrt3A_227 = math.sqrt %add3A_226 : vector<256x256xf32>
    %add3A_228 = arith.addf %add3A_213, %sqrt3A_227 : vector<256x256xf32>
    %slice3A_229 = vector.extract_strided_slice %slice3A_123 {offsets = [0, 7], sizes = [256, 1], strides = [1, 1]} : vector<256x16xf32> to vector<256x1xf32>
    %slice3A_230 = vector.extract_strided_slice %get3A_1 {offsets = [7, 0], sizes = [1, 256], strides = [1, 1]} : vector<16x1024xf32> to vector<1x256xf32>
    %sub3A_231 = vector.broadcast %slice3A_229 : vector<256x1xf32> to vector<256x256xf32>
    %sub3A_232 = vector.broadcast %slice3A_230 : vector<1x256xf32> to vector<256x256xf32>
    %sub3A_233 = arith.subf %sub3A_231, %sub3A_232 : vector<256x256xf32>
    %slice3A_234 = vector.extract_strided_slice %slice3A_123 {offsets = [0, 15], sizes = [256, 1], strides = [1, 1]} : vector<256x16xf32> to vector<256x1xf32>
    %slice3A_235 = vector.extract_strided_slice %get3A_1 {offsets = [15, 0], sizes = [1, 256], strides = [1, 1]} : vector<16x1024xf32> to vector<1x256xf32>
    %sub3A_236 = vector.broadcast %slice3A_234 : vector<256x1xf32> to vector<256x256xf32>
    %sub3A_237 = vector.broadcast %slice3A_235 : vector<1x256xf32> to vector<256x256xf32>
    %sub3A_238 = arith.subf %sub3A_236, %sub3A_237 : vector<256x256xf32>
    %mul3A_239 = arith.mulf %sub3A_233, %sub3A_233 : vector<256x256xf32>
    %mul3A_240 = arith.mulf %sub3A_238, %sub3A_238 : vector<256x256xf32>
    %add3A_241 = arith.addf %mul3A_239, %mul3A_240 : vector<256x256xf32>
    %sqrt3A_242 = math.sqrt %add3A_241 : vector<256x256xf32>
    %add3A_243 = arith.addf %add3A_228, %sqrt3A_242 : vector<256x256xf32>
    %swap3A_244 = arith.constant 256 : index
    %swap3A_245 = arith.constant 0 : index
    %swap3A_246 = vector.load %arg5[%swap3A_244, %swap3A_245] : memref<1024x1024xf32, #tpu.memory_space<vmem>>, vector<256x256xf32>
    tpu.vector_store %arg5[%swap3A_244, %swap3A_245], %add3A_243 {strides = array<i32>} : memref<1024x1024xf32, #tpu.memory_space<vmem>>, vector<256x256xf32>,
    %transpose3A_247 = tpu.transpose %add3A_243, [1, 0] : vector<256x256xf32> -> vector<256x256xf32>
    %swap3A_248 = arith.constant 0 : index
    %swap3A_249 = arith.constant 256 : index
    %swap3A_250 = vector.load %arg5[%swap3A_248, %swap3A_249] : memref<1024x1024xf32, #tpu.memory_space<vmem>>, vector<256x256xf32>
    tpu.vector_store %arg5[%swap3A_248, %swap3A_249], %transpose3A_247 {strides = array<i32>} : memref<1024x1024xf32, #tpu.memory_space<vmem>>, vector<256x256xf32>,
    %broadcast_in_dim3A_251 = arith.constant 0.000000e+00 : f32
    %broadcast_in_dim3A_252 = vector.broadcast %broadcast_in_dim3A_251 : f32 to vector<256x256xf32>
    %slice3A_253 = vector.extract_strided_slice %transpose3A {offsets = [256, 0], sizes = [256, 16], strides = [1, 1]} : vector<1024x16xf32> to vector<256x16xf32>
    %slice3A_254 = vector.extract_strided_slice %slice3A_253 {offsets = [0, 0], sizes = [256, 1], strides = [1, 1]} : vector<256x16xf32> to vector<256x1xf32>
    %slice3A_255 = vector.extract_strided_slice %get3A_1 {offsets = [0, 256], sizes = [1, 256], strides = [1, 1]} : vector<16x1024xf32> to vector<1x256xf32>
    %sub3A_256 = vector.broadcast %slice3A_254 : vector<256x1xf32> to vector<256x256xf32>
    %sub3A_257 = vector.broadcast %slice3A_255 : vector<1x256xf32> to vector<256x256xf32>
    %sub3A_258 = arith.subf %sub3A_256, %sub3A_257 : vector<256x256xf32>
    %slice3A_259 = vector.extract_strided_slice %slice3A_253 {offsets = [0, 8], sizes = [256, 1], strides = [1, 1]} : vector<256x16xf32> to vector<256x1xf32>
    %slice3A_260 = vector.extract_strided_slice %get3A_1 {offsets = [8, 256], sizes = [1, 256], strides = [1, 1]} : vector<16x1024xf32> to vector<1x256xf32>
    %sub3A_261 = vector.broadcast %slice3A_259 : vector<256x1xf32> to vector<256x256xf32>
    %sub3A_262 = vector.broadcast %slice3A_260 : vector<1x256xf32> to vector<256x256xf32>
    %sub3A_263 = arith.subf %sub3A_261, %sub3A_262 : vector<256x256xf32>
    %mul3A_264 = arith.mulf %sub3A_258, %sub3A_258 : vector<256x256xf32>
    %mul3A_265 = arith.mulf %sub3A_263, %sub3A_263 : vector<256x256xf32>
    %add3A_266 = arith.addf %mul3A_264, %mul3A_265 : vector<256x256xf32>
    %sqrt3A_267 = math.sqrt %add3A_266 : vector<256x256xf32>
    %add3A_268 = arith.addf %broadcast_in_dim3A_252, %sqrt3A_267 : vector<256x256xf32>
    %slice3A_269 = vector.extract_strided_slice %slice3A_253 {offsets = [0, 1], sizes = [256, 1], strides = [1, 1]} : vector<256x16xf32> to vector<256x1xf32>
    %slice3A_270 = vector.extract_strided_slice %get3A_1 {offsets = [1, 256], sizes = [1, 256], strides = [1, 1]} : vector<16x1024xf32> to vector<1x256xf32>
    %sub3A_271 = vector.broadcast %slice3A_269 : vector<256x1xf32> to vector<256x256xf32>
    %sub3A_272 = vector.broadcast %slice3A_270 : vector<1x256xf32> to vector<256x256xf32>
    %sub3A_273 = arith.subf %sub3A_271, %sub3A_272 : vector<256x256xf32>
    %slice3A_274 = vector.extract_strided_slice %slice3A_253 {offsets = [0, 9], sizes = [256, 1], strides = [1, 1]} : vector<256x16xf32> to vector<256x1xf32>
    %slice3A_275 = vector.extract_strided_slice %get3A_1 {offsets = [9, 256], sizes = [1, 256], strides = [1, 1]} : vector<16x1024xf32> to vector<1x256xf32>
    %sub3A_276 = vector.broadcast %slice3A_274 : vector<256x1xf32> to vector<256x256xf32>
    %sub3A_277 = vector.broadcast %slice3A_275 : vector<1x256xf32> to vector<256x256xf32>
    %sub3A_278 = arith.subf %sub3A_276, %sub3A_277 : vector<256x256xf32>
    %mul3A_279 = arith.mulf %sub3A_273, %sub3A_273 : vector<256x256xf32>
    %mul3A_280 = arith.mulf %sub3A_278, %sub3A_278 : vector<256x256xf32>
    %add3A_281 = arith.addf %mul3A_279, %mul3A_280 : vector<256x256xf32>
    %sqrt3A_282 = math.sqrt %add3A_281 : vector<256x256xf32>
    %add3A_283 = arith.addf %add3A_268, %sqrt3A_282 : vector<256x256xf32>
    %slice3A_284 = vector.extract_strided_slice %slice3A_253 {offsets = [0, 2], sizes = [256, 1], strides = [1, 1]} : vector<256x16xf32> to vector<256x1xf32>
    %slice3A_285 = vector.extract_strided_slice %get3A_1 {offsets = [2, 256], sizes = [1, 256], strides = [1, 1]} : vector<16x1024xf32> to vector<1x256xf32>
    %sub3A_286 = vector.broadcast %slice3A_284 : vector<256x1xf32> to vector<256x256xf32>
    %sub3A_287 = vector.broadcast %slice3A_285 : vector<1x256xf32> to vector<256x256xf32>
    %sub3A_288 = arith.subf %sub3A_286, %sub3A_287 : vector<256x256xf32>
    %slice3A_289 = vector.extract_strided_slice %slice3A_253 {offsets = [0, 10], sizes = [256, 1], strides = [1, 1]} : vector<256x16xf32> to vector<256x1xf32>
    %slice3A_290 = vector.extract_strided_slice %get3A_1 {offsets = [10, 256], sizes = [1, 256], strides = [1, 1]} : vector<16x1024xf32> to vector<1x256xf32>
    %sub3A_291 = vector.broadcast %slice3A_289 : vector<256x1xf32> to vector<256x256xf32>
    %sub3A_292 = vector.broadcast %slice3A_290 : vector<1x256xf32> to vector<256x256xf32>
    %sub3A_293 = arith.subf %sub3A_291, %sub3A_292 : vector<256x256xf32>
    %mul3A_294 = arith.mulf %sub3A_288, %sub3A_288 : vector<256x256xf32>
    %mul3A_295 = arith.mulf %sub3A_293, %sub3A_293 : vector<256x256xf32>
    %add3A_296 = arith.addf %mul3A_294, %mul3A_295 : vector<256x256xf32>
    %sqrt3A_297 = math.sqrt %add3A_296 : vector<256x256xf32>
    %add3A_298 = arith.addf %add3A_283, %sqrt3A_297 : vector<256x256xf32>
    %slice3A_299 = vector.extract_strided_slice %slice3A_253 {offsets = [0, 3], sizes = [256, 1], strides = [1, 1]} : vector<256x16xf32> to vector<256x1xf32>
    %slice3A_300 = vector.extract_strided_slice %get3A_1 {offsets = [3, 256], sizes = [1, 256], strides = [1, 1]} : vector<16x1024xf32> to vector<1x256xf32>
    %sub3A_301 = vector.broadcast %slice3A_299 : vector<256x1xf32> to vector<256x256xf32>
    %sub3A_302 = vector.broadcast %slice3A_300 : vector<1x256xf32> to vector<256x256xf32>
    %sub3A_303 = arith.subf %sub3A_301, %sub3A_302 : vector<256x256xf32>
    %slice3A_304 = vector.extract_strided_slice %slice3A_253 {offsets = [0, 11], sizes = [256, 1], strides = [1, 1]} : vector<256x16xf32> to vector<256x1xf32>
    %slice3A_305 = vector.extract_strided_slice %get3A_1 {offsets = [11, 256], sizes = [1, 256], strides = [1, 1]} : vector<16x1024xf32> to vector<1x256xf32>
    %sub3A_306 = vector.broadcast %slice3A_304 : vector<256x1xf32> to vector<256x256xf32>
    %sub3A_307 = vector.broadcast %slice3A_305 : vector<1x256xf32> to vector<256x256xf32>
    %sub3A_308 = arith.subf %sub3A_306, %sub3A_307 : vector<256x256xf32>
    %mul3A_309 = arith.mulf %sub3A_303, %sub3A_303 : vector<256x256xf32>
    %mul3A_310 = arith.mulf %sub3A_308, %sub3A_308 : vector<256x256xf32>
    %add3A_311 = arith.addf %mul3A_309, %mul3A_310 : vector<256x256xf32>
    %sqrt3A_312 = math.sqrt %add3A_311 : vector<256x256xf32>
    %add3A_313 = arith.addf %add3A_298, %sqrt3A_312 : vector<256x256xf32>
    %slice3A_314 = vector.extract_strided_slice %slice3A_253 {offsets = [0, 4], sizes = [256, 1], strides = [1, 1]} : vector<256x16xf32> to vector<256x1xf32>
    %slice3A_315 = vector.extract_strided_slice %get3A_1 {offsets = [4, 256], sizes = [1, 256], strides = [1, 1]} : vector<16x1024xf32> to vector<1x256xf32>
    %sub3A_316 = vector.broadcast %slice3A_314 : vector<256x1xf32> to vector<256x256xf32>
    %sub3A_317 = vector.broadcast %slice3A_315 : vector<1x256xf32> to vector<256x256xf32>
    %sub3A_318 = arith.subf %sub3A_316, %sub3A_317 : vector<256x256xf32>
    %slice3A_319 = vector.extract_strided_slice %slice3A_253 {offsets = [0, 12], sizes = [256, 1], strides = [1, 1]} : vector<256x16xf32> to vector<256x1xf32>
    %slice3A_320 = vector.extract_strided_slice %get3A_1 {offsets = [12, 256], sizes = [1, 256], strides = [1, 1]} : vector<16x1024xf32> to vector<1x256xf32>
    %sub3A_321 = vector.broadcast %slice3A_319 : vector<256x1xf32> to vector<256x256xf32>
    %sub3A_322 = vector.broadcast %slice3A_320 : vector<1x256xf32> to vector<256x256xf32>
    %sub3A_323 = arith.subf %sub3A_321, %sub3A_322 : vector<256x256xf32>
    %mul3A_324 = arith.mulf %sub3A_318, %sub3A_318 : vector<256x256xf32>
    %mul3A_325 = arith.mulf %sub3A_323, %sub3A_323 : vector<256x256xf32>
    %add3A_326 = arith.addf %mul3A_324, %mul3A_325 : vector<256x256xf32>
    %sqrt3A_327 = math.sqrt %add3A_326 : vector<256x256xf32>
    %add3A_328 = arith.addf %add3A_313, %sqrt3A_327 : vector<256x256xf32>
    %slice3A_329 = vector.extract_strided_slice %slice3A_253 {offsets = [0, 5], sizes = [256, 1], strides = [1, 1]} : vector<256x16xf32> to vector<256x1xf32>
    %slice3A_330 = vector.extract_strided_slice %get3A_1 {offsets = [5, 256], sizes = [1, 256], strides = [1, 1]} : vector<16x1024xf32> to vector<1x256xf32>
    %sub3A_331 = vector.broadcast %slice3A_329 : vector<256x1xf32> to vector<256x256xf32>
    %sub3A_332 = vector.broadcast %slice3A_330 : vector<1x256xf32> to vector<256x256xf32>
    %sub3A_333 = arith.subf %sub3A_331, %sub3A_332 : vector<256x256xf32>
    %slice3A_334 = vector.extract_strided_slice %slice3A_253 {offsets = [0, 13], sizes = [256, 1], strides = [1, 1]} : vector<256x16xf32> to vector<256x1xf32>
    %slice3A_335 = vector.extract_strided_slice %get3A_1 {offsets = [13, 256], sizes = [1, 256], strides = [1, 1]} : vector<16x1024xf32> to vector<1x256xf32>
    %sub3A_336 = vector.broadcast %slice3A_334 : vector<256x1xf32> to vector<256x256xf32>
    %sub3A_337 = vector.broadcast %slice3A_335 : vector<1x256xf32> to vector<256x256xf32>
    %sub3A_338 = arith.subf %sub3A_336, %sub3A_337 : vector<256x256xf32>
    %mul3A_339 = arith.mulf %sub3A_333, %sub3A_333 : vector<256x256xf32>
    %mul3A_340 = arith.mulf %sub3A_338, %sub3A_338 : vector<256x256xf32>
    %add3A_341 = arith.addf %mul3A_339, %mul3A_340 : vector<256x256xf32>
    %sqrt3A_342 = math.sqrt %add3A_341 : vector<256x256xf32>
    %add3A_343 = arith.addf %add3A_328, %sqrt3A_342 : vector<256x256xf32>
    %slice3A_344 = vector.extract_strided_slice %slice3A_253 {offsets = [0, 6], sizes = [256, 1], strides = [1, 1]} : vector<256x16xf32> to vector<256x1xf32>
    %slice3A_345 = vector.extract_strided_slice %get3A_1 {offsets = [6, 256], sizes = [1, 256], strides = [1, 1]} : vector<16x1024xf32> to vector<1x256xf32>
    %sub3A_346 = vector.broadcast %slice3A_344 : vector<256x1xf32> to vector<256x256xf32>
    %sub3A_347 = vector.broadcast %slice3A_345 : vector<1x256xf32> to vector<256x256xf32>
    %sub3A_348 = arith.subf %sub3A_346, %sub3A_347 : vector<256x256xf32>
    %slice3A_349 = vector.extract_strided_slice %slice3A_253 {offsets = [0, 14], sizes = [256, 1], strides = [1, 1]} : vector<256x16xf32> to vector<256x1xf32>
    %slice3A_350 = vector.extract_strided_slice %get3A_1 {offsets = [14, 256], sizes = [1, 256], strides = [1, 1]} : vector<16x1024xf32> to vector<1x256xf32>
    %sub3A_351 = vector.broadcast %slice3A_349 : vector<256x1xf32> to vector<256x256xf32>
    %sub3A_352 = vector.broadcast %slice3A_350 : vector<1x256xf32> to vector<256x256xf32>
    %sub3A_353 = arith.subf %sub3A_351, %sub3A_352 : vector<256x256xf32>
    %mul3A_354 = arith.mulf %sub3A_348, %sub3A_348 : vector<256x256xf32>
    %mul3A_355 = arith.mulf %sub3A_353, %sub3A_353 : vector<256x256xf32>
    %add3A_356 = arith.addf %mul3A_354, %mul3A_355 : vector<256x256xf32>
    %sqrt3A_357 = math.sqrt %add3A_356 : vector<256x256xf32>
    %add3A_358 = arith.addf %add3A_343, %sqrt3A_357 : vector<256x256xf32>
    %slice3A_359 = vector.extract_strided_slice %slice3A_253 {offsets = [0, 7], sizes = [256, 1], strides = [1, 1]} : vector<256x16xf32> to vector<256x1xf32>
    %slice3A_360 = vector.extract_strided_slice %get3A_1 {offsets = [7, 256], sizes = [1, 256], strides = [1, 1]} : vector<16x1024xf32> to vector<1x256xf32>
    %sub3A_361 = vector.broadcast %slice3A_359 : vector<256x1xf32> to vector<256x256xf32>
    %sub3A_362 = vector.broadcast %slice3A_360 : vector<1x256xf32> to vector<256x256xf32>
    %sub3A_363 = arith.subf %sub3A_361, %sub3A_362 : vector<256x256xf32>
    %slice3A_364 = vector.extract_strided_slice %slice3A_253 {offsets = [0, 15], sizes = [256, 1], strides = [1, 1]} : vector<256x16xf32> to vector<256x1xf32>
    %slice3A_365 = vector.extract_strided_slice %get3A_1 {offsets = [15, 256], sizes = [1, 256], strides = [1, 1]} : vector<16x1024xf32> to vector<1x256xf32>
    %sub3A_366 = vector.broadcast %slice3A_364 : vector<256x1xf32> to vector<256x256xf32>
    %sub3A_367 = vector.broadcast %slice3A_365 : vector<1x256xf32> to vector<256x256xf32>
    %sub3A_368 = arith.subf %sub3A_366, %sub3A_367 : vector<256x256xf32>
    %mul3A_369 = arith.mulf %sub3A_363, %sub3A_363 : vector<256x256xf32>
    %mul3A_370 = arith.mulf %sub3A_368, %sub3A_368 : vector<256x256xf32>
    %add3A_371 = arith.addf %mul3A_369, %mul3A_370 : vector<256x256xf32>
    %sqrt3A_372 = math.sqrt %add3A_371 : vector<256x256xf32>
    %add3A_373 = arith.addf %add3A_358, %sqrt3A_372 : vector<256x256xf32>
    %swap3A_374 = arith.constant 256 : index
    %swap3A_375 = arith.constant 256 : index
    %swap3A_376 = vector.load %arg5[%swap3A_374, %swap3A_375] : memref<1024x1024xf32, #tpu.memory_space<vmem>>, vector<256x256xf32>
    tpu.vector_store %arg5[%swap3A_374, %swap3A_375], %add3A_373 {strides = array<i32>} : memref<1024x1024xf32, #tpu.memory_space<vmem>>, vector<256x256xf32>,
    %broadcast_in_dim3A_377 = arith.constant 0.000000e+00 : f32
    %broadcast_in_dim3A_378 = vector.broadcast %broadcast_in_dim3A_377 : f32 to vector<256x256xf32>
    %slice3A_379 = vector.extract_strided_slice %transpose3A {offsets = [512, 0], sizes = [256, 16], strides = [1, 1]} : vector<1024x16xf32> to vector<256x16xf32>
    %slice3A_380 = vector.extract_strided_slice %slice3A_379 {offsets = [0, 0], sizes = [256, 1], strides = [1, 1]} : vector<256x16xf32> to vector<256x1xf32>
    %slice3A_381 = vector.extract_strided_slice %get3A_1 {offsets = [0, 0], sizes = [1, 256], strides = [1, 1]} : vector<16x1024xf32> to vector<1x256xf32>
    %sub3A_382 = vector.broadcast %slice3A_380 : vector<256x1xf32> to vector<256x256xf32>
    %sub3A_383 = vector.broadcast %slice3A_381 : vector<1x256xf32> to vector<256x256xf32>
    %sub3A_384 = arith.subf %sub3A_382, %sub3A_383 : vector<256x256xf32>
    %slice3A_385 = vector.extract_strided_slice %slice3A_379 {offsets = [0, 8], sizes = [256, 1], strides = [1, 1]} : vector<256x16xf32> to vector<256x1xf32>
    %slice3A_386 = vector.extract_strided_slice %get3A_1 {offsets = [8, 0], sizes = [1, 256], strides = [1, 1]} : vector<16x1024xf32> to vector<1x256xf32>
    %sub3A_387 = vector.broadcast %slice3A_385 : vector<256x1xf32> to vector<256x256xf32>
    %sub3A_388 = vector.broadcast %slice3A_386 : vector<1x256xf32> to vector<256x256xf32>
    %sub3A_389 = arith.subf %sub3A_387, %sub3A_388 : vector<256x256xf32>
    %mul3A_390 = arith.mulf %sub3A_384, %sub3A_384 : vector<256x256xf32>
    %mul3A_391 = arith.mulf %sub3A_389, %sub3A_389 : vector<256x256xf32>
    %add3A_392 = arith.addf %mul3A_390, %mul3A_391 : vector<256x256xf32>
    %sqrt3A_393 = math.sqrt %add3A_392 : vector<256x256xf32>
    %add3A_394 = arith.addf %broadcast_in_dim3A_378, %sqrt3A_393 : vector<256x256xf32>
    %slice3A_395 = vector.extract_strided_slice %slice3A_379 {offsets = [0, 1], sizes = [256, 1], strides = [1, 1]} : vector<256x16xf32> to vector<256x1xf32>
    %slice3A_396 = vector.extract_strided_slice %get3A_1 {offsets = [1, 0], sizes = [1, 256], strides = [1, 1]} : vector<16x1024xf32> to vector<1x256xf32>
    %sub3A_397 = vector.broadcast %slice3A_395 : vector<256x1xf32> to vector<256x256xf32>
    %sub3A_398 = vector.broadcast %slice3A_396 : vector<1x256xf32> to vector<256x256xf32>
    %sub3A_399 = arith.subf %sub3A_397, %sub3A_398 : vector<256x256xf32>
    %slice3A_400 = vector.extract_strided_slice %slice3A_379 {offsets = [0, 9], sizes = [256, 1], strides = [1, 1]} : vector<256x16xf32> to vector<256x1xf32>
    %slice3A_401 = vector.extract_strided_slice %get3A_1 {offsets = [9, 0], sizes = [1, 256], strides = [1, 1]} : vector<16x1024xf32> to vector<1x256xf32>
    %sub3A_402 = vector.broadcast %slice3A_400 : vector<256x1xf32> to vector<256x256xf32>
    %sub3A_403 = vector.broadcast %slice3A_401 : vector<1x256xf32> to vector<256x256xf32>
    %sub3A_404 = arith.subf %sub3A_402, %sub3A_403 : vector<256x256xf32>
    %mul3A_405 = arith.mulf %sub3A_399, %sub3A_399 : vector<256x256xf32>
    %mul3A_406 = arith.mulf %sub3A_404, %sub3A_404 : vector<256x256xf32>
    %add3A_407 = arith.addf %mul3A_405, %mul3A_406 : vector<256x256xf32>
    %sqrt3A_408 = math.sqrt %add3A_407 : vector<256x256xf32>
    %add3A_409 = arith.addf %add3A_394, %sqrt3A_408 : vector<256x256xf32>
    %slice3A_410 = vector.extract_strided_slice %slice3A_379 {offsets = [0, 2], sizes = [256, 1], strides = [1, 1]} : vector<256x16xf32> to vector<256x1xf32>
    %slice3A_411 = vector.extract_strided_slice %get3A_1 {offsets = [2, 0], sizes = [1, 256], strides = [1, 1]} : vector<16x1024xf32> to vector<1x256xf32>
    %sub3A_412 = vector.broadcast %slice3A_410 : vector<256x1xf32> to vector<256x256xf32>
    %sub3A_413 = vector.broadcast %slice3A_411 : vector<1x256xf32> to vector<256x256xf32>
    %sub3A_414 = arith.subf %sub3A_412, %sub3A_413 : vector<256x256xf32>
    %slice3A_415 = vector.extract_strided_slice %slice3A_379 {offsets = [0, 10], sizes = [256, 1], strides = [1, 1]} : vector<256x16xf32> to vector<256x1xf32>
    %slice3A_416 = vector.extract_strided_slice %get3A_1 {offsets = [10, 0], sizes = [1, 256], strides = [1, 1]} : vector<16x1024xf32> to vector<1x256xf32>
    %sub3A_417 = vector.broadcast %slice3A_415 : vector<256x1xf32> to vector<256x256xf32>
    %sub3A_418 = vector.broadcast %slice3A_416 : vector<1x256xf32> to vector<256x256xf32>
    %sub3A_419 = arith.subf %sub3A_417, %sub3A_418 : vector<256x256xf32>
    %mul3A_420 = arith.mulf %sub3A_414, %sub3A_414 : vector<256x256xf32>
    %mul3A_421 = arith.mulf %sub3A_419, %sub3A_419 : vector<256x256xf32>
    %add3A_422 = arith.addf %mul3A_420, %mul3A_421 : vector<256x256xf32>
    %sqrt3A_423 = math.sqrt %add3A_422 : vector<256x256xf32>
    %add3A_424 = arith.addf %add3A_409, %sqrt3A_423 : vector<256x256xf32>
    %slice3A_425 = vector.extract_strided_slice %slice3A_379 {offsets = [0, 3], sizes = [256, 1], strides = [1, 1]} : vector<256x16xf32> to vector<256x1xf32>
    %slice3A_426 = vector.extract_strided_slice %get3A_1 {offsets = [3, 0], sizes = [1, 256], strides = [1, 1]} : vector<16x1024xf32> to vector<1x256xf32>
    %sub3A_427 = vector.broadcast %slice3A_425 : vector<256x1xf32> to vector<256x256xf32>
    %sub3A_428 = vector.broadcast %slice3A_426 : vector<1x256xf32> to vector<256x256xf32>
    %sub3A_429 = arith.subf %sub3A_427, %sub3A_428 : vector<256x256xf32>
    %slice3A_430 = vector.extract_strided_slice %slice3A_379 {offsets = [0, 11], sizes = [256, 1], strides = [1, 1]} : vector<256x16xf32> to vector<256x1xf32>
    %slice3A_431 = vector.extract_strided_slice %get3A_1 {offsets = [11, 0], sizes = [1, 256], strides = [1, 1]} : vector<16x1024xf32> to vector<1x256xf32>
    %sub3A_432 = vector.broadcast %slice3A_430 : vector<256x1xf32> to vector<256x256xf32>
    %sub3A_433 = vector.broadcast %slice3A_431 : vector<1x256xf32> to vector<256x256xf32>
    %sub3A_434 = arith.subf %sub3A_432, %sub3A_433 : vector<256x256xf32>
    %mul3A_435 = arith.mulf %sub3A_429, %sub3A_429 : vector<256x256xf32>
    %mul3A_436 = arith.mulf %sub3A_434, %sub3A_434 : vector<256x256xf32>
    %add3A_437 = arith.addf %mul3A_435, %mul3A_436 : vector<256x256xf32>
    %sqrt3A_438 = math.sqrt %add3A_437 : vector<256x256xf32>
    %add3A_439 = arith.addf %add3A_424, %sqrt3A_438 : vector<256x256xf32>
    %slice3A_440 = vector.extract_strided_slice %slice3A_379 {offsets = [0, 4], sizes = [256, 1], strides = [1, 1]} : vector<256x16xf32> to vector<256x1xf32>
    %slice3A_441 = vector.extract_strided_slice %get3A_1 {offsets = [4, 0], sizes = [1, 256], strides = [1, 1]} : vector<16x1024xf32> to vector<1x256xf32>
    %sub3A_442 = vector.broadcast %slice3A_440 : vector<256x1xf32> to vector<256x256xf32>
    %sub3A_443 = vector.broadcast %slice3A_441 : vector<1x256xf32> to vector<256x256xf32>
    %sub3A_444 = arith.subf %sub3A_442, %sub3A_443 : vector<256x256xf32>
    %slice3A_445 = vector.extract_strided_slice %slice3A_379 {offsets = [0, 12], sizes = [256, 1], strides = [1, 1]} : vector<256x16xf32> to vector<256x1xf32>
    %slice3A_446 = vector.extract_strided_slice %get3A_1 {offsets = [12, 0], sizes = [1, 256], strides = [1, 1]} : vector<16x1024xf32> to vector<1x256xf32>
    %sub3A_447 = vector.broadcast %slice3A_445 : vector<256x1xf32> to vector<256x256xf32>
    %sub3A_448 = vector.broadcast %slice3A_446 : vector<1x256xf32> to vector<256x256xf32>
    %sub3A_449 = arith.subf %sub3A_447, %sub3A_448 : vector<256x256xf32>
    %mul3A_450 = arith.mulf %sub3A_444, %sub3A_444 : vector<256x256xf32>
    %mul3A_451 = arith.mulf %sub3A_449, %sub3A_449 : vector<256x256xf32>
    %add3A_452 = arith.addf %mul3A_450, %mul3A_451 : vector<256x256xf32>
    %sqrt3A_453 = math.sqrt %add3A_452 : vector<256x256xf32>
    %add3A_454 = arith.addf %add3A_439, %sqrt3A_453 : vector<256x256xf32>
    %slice3A_455 = vector.extract_strided_slice %slice3A_379 {offsets = [0, 5], sizes = [256, 1], strides = [1, 1]} : vector<256x16xf32> to vector<256x1xf32>
    %slice3A_456 = vector.extract_strided_slice %get3A_1 {offsets = [5, 0], sizes = [1, 256], strides = [1, 1]} : vector<16x1024xf32> to vector<1x256xf32>
    %sub3A_457 = vector.broadcast %slice3A_455 : vector<256x1xf32> to vector<256x256xf32>
    %sub3A_458 = vector.broadcast %slice3A_456 : vector<1x256xf32> to vector<256x256xf32>
    %sub3A_459 = arith.subf %sub3A_457, %sub3A_458 : vector<256x256xf32>
    %slice3A_460 = vector.extract_strided_slice %slice3A_379 {offsets = [0, 13], sizes = [256, 1], strides = [1, 1]} : vector<256x16xf32> to vector<256x1xf32>
    %slice3A_461 = vector.extract_strided_slice %get3A_1 {offsets = [13, 0], sizes = [1, 256], strides = [1, 1]} : vector<16x1024xf32> to vector<1x256xf32>
    %sub3A_462 = vector.broadcast %slice3A_460 : vector<256x1xf32> to vector<256x256xf32>
    %sub3A_463 = vector.broadcast %slice3A_461 : vector<1x256xf32> to vector<256x256xf32>
    %sub3A_464 = arith.subf %sub3A_462, %sub3A_463 : vector<256x256xf32>
    %mul3A_465 = arith.mulf %sub3A_459, %sub3A_459 : vector<256x256xf32>
    %mul3A_466 = arith.mulf %sub3A_464, %sub3A_464 : vector<256x256xf32>
    %add3A_467 = arith.addf %mul3A_465, %mul3A_466 : vector<256x256xf32>
    %sqrt3A_468 = math.sqrt %add3A_467 : vector<256x256xf32>
    %add3A_469 = arith.addf %add3A_454, %sqrt3A_468 : vector<256x256xf32>
    %slice3A_470 = vector.extract_strided_slice %slice3A_379 {offsets = [0, 6], sizes = [256, 1], strides = [1, 1]} : vector<256x16xf32> to vector<256x1xf32>
    %slice3A_471 = vector.extract_strided_slice %get3A_1 {offsets = [6, 0], sizes = [1, 256], strides = [1, 1]} : vector<16x1024xf32> to vector<1x256xf32>
    %sub3A_472 = vector.broadcast %slice3A_470 : vector<256x1xf32> to vector<256x256xf32>
    %sub3A_473 = vector.broadcast %slice3A_471 : vector<1x256xf32> to vector<256x256xf32>
    %sub3A_474 = arith.subf %sub3A_472, %sub3A_473 : vector<256x256xf32>
    %slice3A_475 = vector.extract_strided_slice %slice3A_379 {offsets = [0, 14], sizes = [256, 1], strides = [1, 1]} : vector<256x16xf32> to vector<256x1xf32>
    %slice3A_476 = vector.extract_strided_slice %get3A_1 {offsets = [14, 0], sizes = [1, 256], strides = [1, 1]} : vector<16x1024xf32> to vector<1x256xf32>
    %sub3A_477 = vector.broadcast %slice3A_475 : vector<256x1xf32> to vector<256x256xf32>
    %sub3A_478 = vector.broadcast %slice3A_476 : vector<1x256xf32> to vector<256x256xf32>
    %sub3A_479 = arith.subf %sub3A_477, %sub3A_478 : vector<256x256xf32>
    %mul3A_480 = arith.mulf %sub3A_474, %sub3A_474 : vector<256x256xf32>
    %mul3A_481 = arith.mulf %sub3A_479, %sub3A_479 : vector<256x256xf32>
    %add3A_482 = arith.addf %mul3A_480, %mul3A_481 : vector<256x256xf32>
    %sqrt3A_483 = math.sqrt %add3A_482 : vector<256x256xf32>
    %add3A_484 = arith.addf %add3A_469, %sqrt3A_483 : vector<256x256xf32>
    %slice3A_485 = vector.extract_strided_slice %slice3A_379 {offsets = [0, 7], sizes = [256, 1], strides = [1, 1]} : vector<256x16xf32> to vector<256x1xf32>
    %slice3A_486 = vector.extract_strided_slice %get3A_1 {offsets = [7, 0], sizes = [1, 256], strides = [1, 1]} : vector<16x1024xf32> to vector<1x256xf32>
    %sub3A_487 = vector.broadcast %slice3A_485 : vector<256x1xf32> to vector<256x256xf32>
    %sub3A_488 = vector.broadcast %slice3A_486 : vector<1x256xf32> to vector<256x256xf32>
    %sub3A_489 = arith.subf %sub3A_487, %sub3A_488 : vector<256x256xf32>
    %slice3A_490 = vector.extract_strided_slice %slice3A_379 {offsets = [0, 15], sizes = [256, 1], strides = [1, 1]} : vector<256x16xf32> to vector<256x1xf32>
    %slice3A_491 = vector.extract_strided_slice %get3A_1 {offsets = [15, 0], sizes = [1, 256], strides = [1, 1]} : vector<16x1024xf32> to vector<1x256xf32>
    %sub3A_492 = vector.broadcast %slice3A_490 : vector<256x1xf32> to vector<256x256xf32>
    %sub3A_493 = vector.broadcast %slice3A_491 : vector<1x256xf32> to vector<256x256xf32>
    %sub3A_494 = arith.subf %sub3A_492, %sub3A_493 : vector<256x256xf32>
    %mul3A_495 = arith.mulf %sub3A_489, %sub3A_489 : vector<256x256xf32>
    %mul3A_496 = arith.mulf %sub3A_494, %sub3A_494 : vector<256x256xf32>
    %add3A_497 = arith.addf %mul3A_495, %mul3A_496 : vector<256x256xf32>
    %sqrt3A_498 = math.sqrt %add3A_497 : vector<256x256xf32>
    %add3A_499 = arith.addf %add3A_484, %sqrt3A_498 : vector<256x256xf32>
    %swap3A_500 = arith.constant 512 : index
    %swap3A_501 = arith.constant 0 : index
    %swap3A_502 = vector.load %arg5[%swap3A_500, %swap3A_501] : memref<1024x1024xf32, #tpu.memory_space<vmem>>, vector<256x256xf32>
    tpu.vector_store %arg5[%swap3A_500, %swap3A_501], %add3A_499 {strides = array<i32>} : memref<1024x1024xf32, #tpu.memory_space<vmem>>, vector<256x256xf32>,
    %transpose3A_503 = tpu.transpose %add3A_499, [1, 0] : vector<256x256xf32> -> vector<256x256xf32>
    %swap3A_504 = arith.constant 0 : index
    %swap3A_505 = arith.constant 512 : index
    %swap3A_506 = vector.load %arg5[%swap3A_504, %swap3A_505] : memref<1024x1024xf32, #tpu.memory_space<vmem>>, vector<256x256xf32>
    tpu.vector_store %arg5[%swap3A_504, %swap3A_505], %transpose3A_503 {strides = array<i32>} : memref<1024x1024xf32, #tpu.memory_space<vmem>>, vector<256x256xf32>,
    %broadcast_in_dim3A_507 = arith.constant 0.000000e+00 : f32
    %broadcast_in_dim3A_508 = vector.broadcast %broadcast_in_dim3A_507 : f32 to vector<256x256xf32>
    %slice3A_509 = vector.extract_strided_slice %transpose3A {offsets = [512, 0], sizes = [256, 16], strides = [1, 1]} : vector<1024x16xf32> to vector<256x16xf32>
    %slice3A_510 = vector.extract_strided_slice %slice3A_509 {offsets = [0, 0], sizes = [256, 1], strides = [1, 1]} : vector<256x16xf32> to vector<256x1xf32>
    %slice3A_511 = vector.extract_strided_slice %get3A_1 {offsets = [0, 256], sizes = [1, 256], strides = [1, 1]} : vector<16x1024xf32> to vector<1x256xf32>
    %sub3A_512 = vector.broadcast %slice3A_510 : vector<256x1xf32> to vector<256x256xf32>
    %sub3A_513 = vector.broadcast %slice3A_511 : vector<1x256xf32> to vector<256x256xf32>
    %sub3A_514 = arith.subf %sub3A_512, %sub3A_513 : vector<256x256xf32>
    %slice3A_515 = vector.extract_strided_slice %slice3A_509 {offsets = [0, 8], sizes = [256, 1], strides = [1, 1]} : vector<256x16xf32> to vector<256x1xf32>
    %slice3A_516 = vector.extract_strided_slice %get3A_1 {offsets = [8, 256], sizes = [1, 256], strides = [1, 1]} : vector<16x1024xf32> to vector<1x256xf32>
    %sub3A_517 = vector.broadcast %slice3A_515 : vector<256x1xf32> to vector<256x256xf32>
    %sub3A_518 = vector.broadcast %slice3A_516 : vector<1x256xf32> to vector<256x256xf32>
    %sub3A_519 = arith.subf %sub3A_517, %sub3A_518 : vector<256x256xf32>
    %mul3A_520 = arith.mulf %sub3A_514, %sub3A_514 : vector<256x256xf32>
    %mul3A_521 = arith.mulf %sub3A_519, %sub3A_519 : vector<256x256xf32>
    %add3A_522 = arith.addf %mul3A_520, %mul3A_521 : vector<256x256xf32>
    %sqrt3A_523 = math.sqrt %add3A_522 : vector<256x256xf32>
    %add3A_524 = arith.addf %broadcast_in_dim3A_508, %sqrt3A_523 : vector<256x256xf32>
    %slice3A_525 = vector.extract_strided_slice %slice3A_509 {offsets = [0, 1], sizes = [256, 1], strides = [1, 1]} : vector<256x16xf32> to vector<256x1xf32>
    %slice3A_526 = vector.extract_strided_slice %get3A_1 {offsets = [1, 256], sizes = [1, 256], strides = [1, 1]} : vector<16x1024xf32> to vector<1x256xf32>
    %sub3A_527 = vector.broadcast %slice3A_525 : vector<256x1xf32> to vector<256x256xf32>
    %sub3A_528 = vector.broadcast %slice3A_526 : vector<1x256xf32> to vector<256x256xf32>
    %sub3A_529 = arith.subf %sub3A_527, %sub3A_528 : vector<256x256xf32>
    %slice3A_530 = vector.extract_strided_slice %slice3A_509 {offsets = [0, 9], sizes = [256, 1], strides = [1, 1]} : vector<256x16xf32> to vector<256x1xf32>
    %slice3A_531 = vector.extract_strided_slice %get3A_1 {offsets = [9, 256], sizes = [1, 256], strides = [1, 1]} : vector<16x1024xf32> to vector<1x256xf32>
    %sub3A_532 = vector.broadcast %slice3A_530 : vector<256x1xf32> to vector<256x256xf32>
    %sub3A_533 = vector.broadcast %slice3A_531 : vector<1x256xf32> to vector<256x256xf32>
    %sub3A_534 = arith.subf %sub3A_532, %sub3A_533 : vector<256x256xf32>
    %mul3A_535 = arith.mulf %sub3A_529, %sub3A_529 : vector<256x256xf32>
    %mul3A_536 = arith.mulf %sub3A_534, %sub3A_534 : vector<256x256xf32>
    %add3A_537 = arith.addf %mul3A_535, %mul3A_536 : vector<256x256xf32>
    %sqrt3A_538 = math.sqrt %add3A_537 : vector<256x256xf32>
    %add3A_539 = arith.addf %add3A_524, %sqrt3A_538 : vector<256x256xf32>
    %slice3A_540 = vector.extract_strided_slice %slice3A_509 {offsets = [0, 2], sizes = [256, 1], strides = [1, 1]} : vector<256x16xf32> to vector<256x1xf32>
    %slice3A_541 = vector.extract_strided_slice %get3A_1 {offsets = [2, 256], sizes = [1, 256], strides = [1, 1]} : vector<16x1024xf32> to vector<1x256xf32>
    %sub3A_542 = vector.broadcast %slice3A_540 : vector<256x1xf32> to vector<256x256xf32>
    %sub3A_543 = vector.broadcast %slice3A_541 : vector<1x256xf32> to vector<256x256xf32>
    %sub3A_544 = arith.subf %sub3A_542, %sub3A_543 : vector<256x256xf32>
    %slice3A_545 = vector.extract_strided_slice %slice3A_509 {offsets = [0, 10], sizes = [256, 1], strides = [1, 1]} : vector<256x16xf32> to vector<256x1xf32>
    %slice3A_546 = vector.extract_strided_slice %get3A_1 {offsets = [10, 256], sizes = [1, 256], strides = [1, 1]} : vector<16x1024xf32> to vector<1x256xf32>
    %sub3A_547 = vector.broadcast %slice3A_545 : vector<256x1xf32> to vector<256x256xf32>
    %sub3A_548 = vector.broadcast %slice3A_546 : vector<1x256xf32> to vector<256x256xf32>
    %sub3A_549 = arith.subf %sub3A_547, %sub3A_548 : vector<256x256xf32>
    %mul3A_550 = arith.mulf %sub3A_544, %sub3A_544 : vector<256x256xf32>
    %mul3A_551 = arith.mulf %sub3A_549, %sub3A_549 : vector<256x256xf32>
    %add3A_552 = arith.addf %mul3A_550, %mul3A_551 : vector<256x256xf32>
    %sqrt3A_553 = math.sqrt %add3A_552 : vector<256x256xf32>
    %add3A_554 = arith.addf %add3A_539, %sqrt3A_553 : vector<256x256xf32>
    %slice3A_555 = vector.extract_strided_slice %slice3A_509 {offsets = [0, 3], sizes = [256, 1], strides = [1, 1]} : vector<256x16xf32> to vector<256x1xf32>
    %slice3A_556 = vector.extract_strided_slice %get3A_1 {offsets = [3, 256], sizes = [1, 256], strides = [1, 1]} : vector<16x1024xf32> to vector<1x256xf32>
    %sub3A_557 = vector.broadcast %slice3A_555 : vector<256x1xf32> to vector<256x256xf32>
    %sub3A_558 = vector.broadcast %slice3A_556 : vector<1x256xf32> to vector<256x256xf32>
    %sub3A_559 = arith.subf %sub3A_557, %sub3A_558 : vector<256x256xf32>
    %slice3A_560 = vector.extract_strided_slice %slice3A_509 {offsets = [0, 11], sizes = [256, 1], strides = [1, 1]} : vector<256x16xf32> to vector<256x1xf32>
    %slice3A_561 = vector.extract_strided_slice %get3A_1 {offsets = [11, 256], sizes = [1, 256], strides = [1, 1]} : vector<16x1024xf32> to vector<1x256xf32>
    %sub3A_562 = vector.broadcast %slice3A_560 : vector<256x1xf32> to vector<256x256xf32>
    %sub3A_563 = vector.broadcast %slice3A_561 : vector<1x256xf32> to vector<256x256xf32>
    %sub3A_564 = arith.subf %sub3A_562, %sub3A_563 : vector<256x256xf32>
    %mul3A_565 = arith.mulf %sub3A_559, %sub3A_559 : vector<256x256xf32>
    %mul3A_566 = arith.mulf %sub3A_564, %sub3A_564 : vector<256x256xf32>
    %add3A_567 = arith.addf %mul3A_565, %mul3A_566 : vector<256x256xf32>
    %sqrt3A_568 = math.sqrt %add3A_567 : vector<256x256xf32>
    %add3A_569 = arith.addf %add3A_554, %sqrt3A_568 : vector<256x256xf32>
    %slice3A_570 = vector.extract_strided_slice %slice3A_509 {offsets = [0, 4], sizes = [256, 1], strides = [1, 1]} : vector<256x16xf32> to vector<256x1xf32>
    %slice3A_571 = vector.extract_strided_slice %get3A_1 {offsets = [4, 256], sizes = [1, 256], strides = [1, 1]} : vector<16x1024xf32> to vector<1x256xf32>
    %sub3A_572 = vector.broadcast %slice3A_570 : vector<256x1xf32> to vector<256x256xf32>
    %sub3A_573 = vector.broadcast %slice3A_571 : vector<1x256xf32> to vector<256x256xf32>
    %sub3A_574 = arith.subf %sub3A_572, %sub3A_573 : vector<256x256xf32>
    %slice3A_575 = vector.extract_strided_slice %slice3A_509 {offsets = [0, 12], sizes = [256, 1], strides = [1, 1]} : vector<256x16xf32> to vector<256x1xf32>
    %slice3A_576 = vector.extract_strided_slice %get3A_1 {offsets = [12, 256], sizes = [1, 256], strides = [1, 1]} : vector<16x1024xf32> to vector<1x256xf32>
    %sub3A_577 = vector.broadcast %slice3A_575 : vector<256x1xf32> to vector<256x256xf32>
    %sub3A_578 = vector.broadcast %slice3A_576 : vector<1x256xf32> to vector<256x256xf32>
    %sub3A_579 = arith.subf %sub3A_577, %sub3A_578 : vector<256x256xf32>
    %mul3A_580 = arith.mulf %sub3A_574, %sub3A_574 : vector<256x256xf32>
    %mul3A_581 = arith.mulf %sub3A_579, %sub3A_579 : vector<256x256xf32>
    %add3A_582 = arith.addf %mul3A_580, %mul3A_581 : vector<256x256xf32>
    %sqrt3A_583 = math.sqrt %add3A_582 : vector<256x256xf32>
    %add3A_584 = arith.addf %add3A_569, %sqrt3A_583 : vector<256x256xf32>
    %slice3A_585 = vector.extract_strided_slice %slice3A_509 {offsets = [0, 5], sizes = [256, 1], strides = [1, 1]} : vector<256x16xf32> to vector<256x1xf32>
    %slice3A_586 = vector.extract_strided_slice %get3A_1 {offsets = [5, 256], sizes = [1, 256], strides = [1, 1]} : vector<16x1024xf32> to vector<1x256xf32>
    %sub3A_587 = vector.broadcast %slice3A_585 : vector<256x1xf32> to vector<256x256xf32>
    %sub3A_588 = vector.broadcast %slice3A_586 : vector<1x256xf32> to vector<256x256xf32>
    %sub3A_589 = arith.subf %sub3A_587, %sub3A_588 : vector<256x256xf32>
    %slice3A_590 = vector.extract_strided_slice %slice3A_509 {offsets = [0, 13], sizes = [256, 1], strides = [1, 1]} : vector<256x16xf32> to vector<256x1xf32>
    %slice3A_591 = vector.extract_strided_slice %get3A_1 {offsets = [13, 256], sizes = [1, 256], strides = [1, 1]} : vector<16x1024xf32> to vector<1x256xf32>
    %sub3A_592 = vector.broadcast %slice3A_590 : vector<256x1xf32> to vector<256x256xf32>
    %sub3A_593 = vector.broadcast %slice3A_591 : vector<1x256xf32> to vector<256x256xf32>
    %sub3A_594 = arith.subf %sub3A_592, %sub3A_593 : vector<256x256xf32>
    %mul3A_595 = arith.mulf %sub3A_589, %sub3A_589 : vector<256x256xf32>
    %mul3A_596 = arith.mulf %sub3A_594, %sub3A_594 : vector<256x256xf32>
    %add3A_597 = arith.addf %mul3A_595, %mul3A_596 : vector<256x256xf32>
    %sqrt3A_598 = math.sqrt %add3A_597 : vector<256x256xf32>
    %add3A_599 = arith.addf %add3A_584, %sqrt3A_598 : vector<256x256xf32>
    %slice3A_600 = vector.extract_strided_slice %slice3A_509 {offsets = [0, 6], sizes = [256, 1], strides = [1, 1]} : vector<256x16xf32> to vector<256x1xf32>
    %slice3A_601 = vector.extract_strided_slice %get3A_1 {offsets = [6, 256], sizes = [1, 256], strides = [1, 1]} : vector<16x1024xf32> to vector<1x256xf32>
    %sub3A_602 = vector.broadcast %slice3A_600 : vector<256x1xf32> to vector<256x256xf32>
    %sub3A_603 = vector.broadcast %slice3A_601 : vector<1x256xf32> to vector<256x256xf32>
    %sub3A_604 = arith.subf %sub3A_602, %sub3A_603 : vector<256x256xf32>
    %slice3A_605 = vector.extract_strided_slice %slice3A_509 {offsets = [0, 14], sizes = [256, 1], strides = [1, 1]} : vector<256x16xf32> to vector<256x1xf32>
    %slice3A_606 = vector.extract_strided_slice %get3A_1 {offsets = [14, 256], sizes = [1, 256], strides = [1, 1]} : vector<16x1024xf32> to vector<1x256xf32>
    %sub3A_607 = vector.broadcast %slice3A_605 : vector<256x1xf32> to vector<256x256xf32>
    %sub3A_608 = vector.broadcast %slice3A_606 : vector<1x256xf32> to vector<256x256xf32>
    %sub3A_609 = arith.subf %sub3A_607, %sub3A_608 : vector<256x256xf32>
    %mul3A_610 = arith.mulf %sub3A_604, %sub3A_604 : vector<256x256xf32>
    %mul3A_611 = arith.mulf %sub3A_609, %sub3A_609 : vector<256x256xf32>
    %add3A_612 = arith.addf %mul3A_610, %mul3A_611 : vector<256x256xf32>
    %sqrt3A_613 = math.sqrt %add3A_612 : vector<256x256xf32>
    %add3A_614 = arith.addf %add3A_599, %sqrt3A_613 : vector<256x256xf32>
    %slice3A_615 = vector.extract_strided_slice %slice3A_509 {offsets = [0, 7], sizes = [256, 1], strides = [1, 1]} : vector<256x16xf32> to vector<256x1xf32>
    %slice3A_616 = vector.extract_strided_slice %get3A_1 {offsets = [7, 256], sizes = [1, 256], strides = [1, 1]} : vector<16x1024xf32> to vector<1x256xf32>
    %sub3A_617 = vector.broadcast %slice3A_615 : vector<256x1xf32> to vector<256x256xf32>
    %sub3A_618 = vector.broadcast %slice3A_616 : vector<1x256xf32> to vector<256x256xf32>
    %sub3A_619 = arith.subf %sub3A_617, %sub3A_618 : vector<256x256xf32>
    %slice3A_620 = vector.extract_strided_slice %slice3A_509 {offsets = [0, 15], sizes = [256, 1], strides = [1, 1]} : vector<256x16xf32> to vector<256x1xf32>
    %slice3A_621 = vector.extract_strided_slice %get3A_1 {offsets = [15, 256], sizes = [1, 256], strides = [1, 1]} : vector<16x1024xf32> to vector<1x256xf32>
    %sub3A_622 = vector.broadcast %slice3A_620 : vector<256x1xf32> to vector<256x256xf32>
    %sub3A_623 = vector.broadcast %slice3A_621 : vector<1x256xf32> to vector<256x256xf32>
    %sub3A_624 = arith.subf %sub3A_622, %sub3A_623 : vector<256x256xf32>
    %mul3A_625 = arith.mulf %sub3A_619, %sub3A_619 : vector<256x256xf32>
    %mul3A_626 = arith.mulf %sub3A_624, %sub3A_624 : vector<256x256xf32>
    %add3A_627 = arith.addf %mul3A_625, %mul3A_626 : vector<256x256xf32>
    %sqrt3A_628 = math.sqrt %add3A_627 : vector<256x256xf32>
    %add3A_629 = arith.addf %add3A_614, %sqrt3A_628 : vector<256x256xf32>
    %swap3A_630 = arith.constant 512 : index
    %swap3A_631 = arith.constant 256 : index
    %swap3A_632 = vector.load %arg5[%swap3A_630, %swap3A_631] : memref<1024x1024xf32, #tpu.memory_space<vmem>>, vector<256x256xf32>
    tpu.vector_store %arg5[%swap3A_630, %swap3A_631], %add3A_629 {strides = array<i32>} : memref<1024x1024xf32, #tpu.memory_space<vmem>>, vector<256x256xf32>,
    %transpose3A_633 = tpu.transpose %add3A_629, [1, 0] : vector<256x256xf32> -> vector<256x256xf32>
    %swap3A_634 = arith.constant 256 : index
    %swap3A_635 = arith.constant 512 : index
    %swap3A_636 = vector.load %arg5[%swap3A_634, %swap3A_635] : memref<1024x1024xf32, #tpu.memory_space<vmem>>, vector<256x256xf32>
    tpu.vector_store %arg5[%swap3A_634, %swap3A_635], %transpose3A_633 {strides = array<i32>} : memref<1024x1024xf32, #tpu.memory_space<vmem>>, vector<256x256xf32>,
    %broadcast_in_dim3A_637 = arith.constant 0.000000e+00 : f32
    %broadcast_in_dim3A_638 = vector.broadcast %broadcast_in_dim3A_637 : f32 to vector<256x256xf32>
    %slice3A_639 = vector.extract_strided_slice %transpose3A {offsets = [512, 0], sizes = [256, 16], strides = [1, 1]} : vector<1024x16xf32> to vector<256x16xf32>
    %slice3A_640 = vector.extract_strided_slice %slice3A_639 {offsets = [0, 0], sizes = [256, 1], strides = [1, 1]} : vector<256x16xf32> to vector<256x1xf32>
    %slice3A_641 = vector.extract_strided_slice %get3A_1 {offsets = [0, 512], sizes = [1, 256], strides = [1, 1]} : vector<16x1024xf32> to vector<1x256xf32>
    %sub3A_642 = vector.broadcast %slice3A_640 : vector<256x1xf32> to vector<256x256xf32>
    %sub3A_643 = vector.broadcast %slice3A_641 : vector<1x256xf32> to vector<256x256xf32>
    %sub3A_644 = arith.subf %sub3A_642, %sub3A_643 : vector<256x256xf32>
    %slice3A_645 = vector.extract_strided_slice %slice3A_639 {offsets = [0, 8], sizes = [256, 1], strides = [1, 1]} : vector<256x16xf32> to vector<256x1xf32>
    %slice3A_646 = vector.extract_strided_slice %get3A_1 {offsets = [8, 512], sizes = [1, 256], strides = [1, 1]} : vector<16x1024xf32> to vector<1x256xf32>
    %sub3A_647 = vector.broadcast %slice3A_645 : vector<256x1xf32> to vector<256x256xf32>
    %sub3A_648 = vector.broadcast %slice3A_646 : vector<1x256xf32> to vector<256x256xf32>
    %sub3A_649 = arith.subf %sub3A_647, %sub3A_648 : vector<256x256xf32>
    %mul3A_650 = arith.mulf %sub3A_644, %sub3A_644 : vector<256x256xf32>
    %mul3A_651 = arith.mulf %sub3A_649, %sub3A_649 : vector<256x256xf32>
    %add3A_652 = arith.addf %mul3A_650, %mul3A_651 : vector<256x256xf32>
    %sqrt3A_653 = math.sqrt %add3A_652 : vector<256x256xf32>
    %add3A_654 = arith.addf %broadcast_in_dim3A_638, %sqrt3A_653 : vector<256x256xf32>
    %slice3A_655 = vector.extract_strided_slice %slice3A_639 {offsets = [0, 1], sizes = [256, 1], strides = [1, 1]} : vector<256x16xf32> to vector<256x1xf32>
    %slice3A_656 = vector.extract_strided_slice %get3A_1 {offsets = [1, 512], sizes = [1, 256], strides = [1, 1]} : vector<16x1024xf32> to vector<1x256xf32>
    %sub3A_657 = vector.broadcast %slice3A_655 : vector<256x1xf32> to vector<256x256xf32>
    %sub3A_658 = vector.broadcast %slice3A_656 : vector<1x256xf32> to vector<256x256xf32>
    %sub3A_659 = arith.subf %sub3A_657, %sub3A_658 : vector<256x256xf32>
    %slice3A_660 = vector.extract_strided_slice %slice3A_639 {offsets = [0, 9], sizes = [256, 1], strides = [1, 1]} : vector<256x16xf32> to vector<256x1xf32>
    %slice3A_661 = vector.extract_strided_slice %get3A_1 {offsets = [9, 512], sizes = [1, 256], strides = [1, 1]} : vector<16x1024xf32> to vector<1x256xf32>
    %sub3A_662 = vector.broadcast %slice3A_660 : vector<256x1xf32> to vector<256x256xf32>
    %sub3A_663 = vector.broadcast %slice3A_661 : vector<1x256xf32> to vector<256x256xf32>
    %sub3A_664 = arith.subf %sub3A_662, %sub3A_663 : vector<256x256xf32>
    %mul3A_665 = arith.mulf %sub3A_659, %sub3A_659 : vector<256x256xf32>
    %mul3A_666 = arith.mulf %sub3A_664, %sub3A_664 : vector<256x256xf32>
    %add3A_667 = arith.addf %mul3A_665, %mul3A_666 : vector<256x256xf32>
    %sqrt3A_668 = math.sqrt %add3A_667 : vector<256x256xf32>
    %add3A_669 = arith.addf %add3A_654, %sqrt3A_668 : vector<256x256xf32>
    %slice3A_670 = vector.extract_strided_slice %slice3A_639 {offsets = [0, 2], sizes = [256, 1], strides = [1, 1]} : vector<256x16xf32> to vector<256x1xf32>
    %slice3A_671 = vector.extract_strided_slice %get3A_1 {offsets = [2, 512], sizes = [1, 256], strides = [1, 1]} : vector<16x1024xf32> to vector<1x256xf32>
    %sub3A_672 = vector.broadcast %slice3A_670 : vector<256x1xf32> to vector<256x256xf32>
    %sub3A_673 = vector.broadcast %slice3A_671 : vector<1x256xf32> to vector<256x256xf32>
    %sub3A_674 = arith.subf %sub3A_672, %sub3A_673 : vector<256x256xf32>
    %slice3A_675 = vector.extract_strided_slice %slice3A_639 {offsets = [0, 10], sizes = [256, 1], strides = [1, 1]} : vector<256x16xf32> to vector<256x1xf32>
    %slice3A_676 = vector.extract_strided_slice %get3A_1 {offsets = [10, 512], sizes = [1, 256], strides = [1, 1]} : vector<16x1024xf32> to vector<1x256xf32>
    %sub3A_677 = vector.broadcast %slice3A_675 : vector<256x1xf32> to vector<256x256xf32>
    %sub3A_678 = vector.broadcast %slice3A_676 : vector<1x256xf32> to vector<256x256xf32>
    %sub3A_679 = arith.subf %sub3A_677, %sub3A_678 : vector<256x256xf32>
    %mul3A_680 = arith.mulf %sub3A_674, %sub3A_674 : vector<256x256xf32>
    %mul3A_681 = arith.mulf %sub3A_679, %sub3A_679 : vector<256x256xf32>
    %add3A_682 = arith.addf %mul3A_680, %mul3A_681 : vector<256x256xf32>
    %sqrt3A_683 = math.sqrt %add3A_682 : vector<256x256xf32>
    %add3A_684 = arith.addf %add3A_669, %sqrt3A_683 : vector<256x256xf32>
    %slice3A_685 = vector.extract_strided_slice %slice3A_639 {offsets = [0, 3], sizes = [256, 1], strides = [1, 1]} : vector<256x16xf32> to vector<256x1xf32>
    %slice3A_686 = vector.extract_strided_slice %get3A_1 {offsets = [3, 512], sizes = [1, 256], strides = [1, 1]} : vector<16x1024xf32> to vector<1x256xf32>
    %sub3A_687 = vector.broadcast %slice3A_685 : vector<256x1xf32> to vector<256x256xf32>
    %sub3A_688 = vector.broadcast %slice3A_686 : vector<1x256xf32> to vector<256x256xf32>
    %sub3A_689 = arith.subf %sub3A_687, %sub3A_688 : vector<256x256xf32>
    %slice3A_690 = vector.extract_strided_slice %slice3A_639 {offsets = [0, 11], sizes = [256, 1], strides = [1, 1]} : vector<256x16xf32> to vector<256x1xf32>
    %slice3A_691 = vector.extract_strided_slice %get3A_1 {offsets = [11, 512], sizes = [1, 256], strides = [1, 1]} : vector<16x1024xf32> to vector<1x256xf32>
    %sub3A_692 = vector.broadcast %slice3A_690 : vector<256x1xf32> to vector<256x256xf32>
    %sub3A_693 = vector.broadcast %slice3A_691 : vector<1x256xf32> to vector<256x256xf32>
    %sub3A_694 = arith.subf %sub3A_692, %sub3A_693 : vector<256x256xf32>
    %mul3A_695 = arith.mulf %sub3A_689, %sub3A_689 : vector<256x256xf32>
    %mul3A_696 = arith.mulf %sub3A_694, %sub3A_694 : vector<256x256xf32>
    %add3A_697 = arith.addf %mul3A_695, %mul3A_696 : vector<256x256xf32>
    %sqrt3A_698 = math.sqrt %add3A_697 : vector<256x256xf32>
    %add3A_699 = arith.addf %add3A_684, %sqrt3A_698 : vector<256x256xf32>
    %slice3A_700 = vector.extract_strided_slice %slice3A_639 {offsets = [0, 4], sizes = [256, 1], strides = [1, 1]} : vector<256x16xf32> to vector<256x1xf32>
    %slice3A_701 = vector.extract_strided_slice %get3A_1 {offsets = [4, 512], sizes = [1, 256], strides = [1, 1]} : vector<16x1024xf32> to vector<1x256xf32>
    %sub3A_702 = vector.broadcast %slice3A_700 : vector<256x1xf32> to vector<256x256xf32>
    %sub3A_703 = vector.broadcast %slice3A_701 : vector<1x256xf32> to vector<256x256xf32>
    %sub3A_704 = arith.subf %sub3A_702, %sub3A_703 : vector<256x256xf32>
    %slice3A_705 = vector.extract_strided_slice %slice3A_639 {offsets = [0, 12], sizes = [256, 1], strides = [1, 1]} : vector<256x16xf32> to vector<256x1xf32>
    %slice3A_706 = vector.extract_strided_slice %get3A_1 {offsets = [12, 512], sizes = [1, 256], strides = [1, 1]} : vector<16x1024xf32> to vector<1x256xf32>
    %sub3A_707 = vector.broadcast %slice3A_705 : vector<256x1xf32> to vector<256x256xf32>
    %sub3A_708 = vector.broadcast %slice3A_706 : vector<1x256xf32> to vector<256x256xf32>
    %sub3A_709 = arith.subf %sub3A_707, %sub3A_708 : vector<256x256xf32>
    %mul3A_710 = arith.mulf %sub3A_704, %sub3A_704 : vector<256x256xf32>
    %mul3A_711 = arith.mulf %sub3A_709, %sub3A_709 : vector<256x256xf32>
    %add3A_712 = arith.addf %mul3A_710, %mul3A_711 : vector<256x256xf32>
    %sqrt3A_713 = math.sqrt %add3A_712 : vector<256x256xf32>
    %add3A_714 = arith.addf %add3A_699, %sqrt3A_713 : vector<256x256xf32>
    %slice3A_715 = vector.extract_strided_slice %slice3A_639 {offsets = [0, 5], sizes = [256, 1], strides = [1, 1]} : vector<256x16xf32> to vector<256x1xf32>
    %slice3A_716 = vector.extract_strided_slice %get3A_1 {offsets = [5, 512], sizes = [1, 256], strides = [1, 1]} : vector<16x1024xf32> to vector<1x256xf32>
    %sub3A_717 = vector.broadcast %slice3A_715 : vector<256x1xf32> to vector<256x256xf32>
    %sub3A_718 = vector.broadcast %slice3A_716 : vector<1x256xf32> to vector<256x256xf32>
    %sub3A_719 = arith.subf %sub3A_717, %sub3A_718 : vector<256x256xf32>
    %slice3A_720 = vector.extract_strided_slice %slice3A_639 {offsets = [0, 13], sizes = [256, 1], strides = [1, 1]} : vector<256x16xf32> to vector<256x1xf32>
    %slice3A_721 = vector.extract_strided_slice %get3A_1 {offsets = [13, 512], sizes = [1, 256], strides = [1, 1]} : vector<16x1024xf32> to vector<1x256xf32>
    %sub3A_722 = vector.broadcast %slice3A_720 : vector<256x1xf32> to vector<256x256xf32>
    %sub3A_723 = vector.broadcast %slice3A_721 : vector<1x256xf32> to vector<256x256xf32>
    %sub3A_724 = arith.subf %sub3A_722, %sub3A_723 : vector<256x256xf32>
    %mul3A_725 = arith.mulf %sub3A_719, %sub3A_719 : vector<256x256xf32>
    %mul3A_726 = arith.mulf %sub3A_724, %sub3A_724 : vector<256x256xf32>
    %add3A_727 = arith.addf %mul3A_725, %mul3A_726 : vector<256x256xf32>
    %sqrt3A_728 = math.sqrt %add3A_727 : vector<256x256xf32>
    %add3A_729 = arith.addf %add3A_714, %sqrt3A_728 : vector<256x256xf32>
    %slice3A_730 = vector.extract_strided_slice %slice3A_639 {offsets = [0, 6], sizes = [256, 1], strides = [1, 1]} : vector<256x16xf32> to vector<256x1xf32>
    %slice3A_731 = vector.extract_strided_slice %get3A_1 {offsets = [6, 512], sizes = [1, 256], strides = [1, 1]} : vector<16x1024xf32> to vector<1x256xf32>
    %sub3A_732 = vector.broadcast %slice3A_730 : vector<256x1xf32> to vector<256x256xf32>
    %sub3A_733 = vector.broadcast %slice3A_731 : vector<1x256xf32> to vector<256x256xf32>
    %sub3A_734 = arith.subf %sub3A_732, %sub3A_733 : vector<256x256xf32>
    %slice3A_735 = vector.extract_strided_slice %slice3A_639 {offsets = [0, 14], sizes = [256, 1], strides = [1, 1]} : vector<256x16xf32> to vector<256x1xf32>
    %slice3A_736 = vector.extract_strided_slice %get3A_1 {offsets = [14, 512], sizes = [1, 256], strides = [1, 1]} : vector<16x1024xf32> to vector<1x256xf32>
    %sub3A_737 = vector.broadcast %slice3A_735 : vector<256x1xf32> to vector<256x256xf32>
    %sub3A_738 = vector.broadcast %slice3A_736 : vector<1x256xf32> to vector<256x256xf32>
    %sub3A_739 = arith.subf %sub3A_737, %sub3A_738 : vector<256x256xf32>
    %mul3A_740 = arith.mulf %sub3A_734, %sub3A_734 : vector<256x256xf32>
    %mul3A_741 = arith.mulf %sub3A_739, %sub3A_739 : vector<256x256xf32>
    %add3A_742 = arith.addf %mul3A_740, %mul3A_741 : vector<256x256xf32>
    %sqrt3A_743 = math.sqrt %add3A_742 : vector<256x256xf32>
    %add3A_744 = arith.addf %add3A_729, %sqrt3A_743 : vector<256x256xf32>
    %slice3A_745 = vector.extract_strided_slice %slice3A_639 {offsets = [0, 7], sizes = [256, 1], strides = [1, 1]} : vector<256x16xf32> to vector<256x1xf32>
    %slice3A_746 = vector.extract_strided_slice %get3A_1 {offsets = [7, 512], sizes = [1, 256], strides = [1, 1]} : vector<16x1024xf32> to vector<1x256xf32>
    %sub3A_747 = vector.broadcast %slice3A_745 : vector<256x1xf32> to vector<256x256xf32>
    %sub3A_748 = vector.broadcast %slice3A_746 : vector<1x256xf32> to vector<256x256xf32>
    %sub3A_749 = arith.subf %sub3A_747, %sub3A_748 : vector<256x256xf32>
    %slice3A_750 = vector.extract_strided_slice %slice3A_639 {offsets = [0, 15], sizes = [256, 1], strides = [1, 1]} : vector<256x16xf32> to vector<256x1xf32>
    %slice3A_751 = vector.extract_strided_slice %get3A_1 {offsets = [15, 512], sizes = [1, 256], strides = [1, 1]} : vector<16x1024xf32> to vector<1x256xf32>
    %sub3A_752 = vector.broadcast %slice3A_750 : vector<256x1xf32> to vector<256x256xf32>
    %sub3A_753 = vector.broadcast %slice3A_751 : vector<1x256xf32> to vector<256x256xf32>
    %sub3A_754 = arith.subf %sub3A_752, %sub3A_753 : vector<256x256xf32>
    %mul3A_755 = arith.mulf %sub3A_749, %sub3A_749 : vector<256x256xf32>
    %mul3A_756 = arith.mulf %sub3A_754, %sub3A_754 : vector<256x256xf32>
    %add3A_757 = arith.addf %mul3A_755, %mul3A_756 : vector<256x256xf32>
    %sqrt3A_758 = math.sqrt %add3A_757 : vector<256x256xf32>
    %add3A_759 = arith.addf %add3A_744, %sqrt3A_758 : vector<256x256xf32>
    %swap3A_760 = arith.constant 512 : index
    %swap3A_761 = arith.constant 512 : index
    %swap3A_762 = vector.load %arg5[%swap3A_760, %swap3A_761] : memref<1024x1024xf32, #tpu.memory_space<vmem>>, vector<256x256xf32>
    tpu.vector_store %arg5[%swap3A_760, %swap3A_761], %add3A_759 {strides = array<i32>} : memref<1024x1024xf32, #tpu.memory_space<vmem>>, vector<256x256xf32>,
    %broadcast_in_dim3A_763 = arith.constant 0.000000e+00 : f32
    %broadcast_in_dim3A_764 = vector.broadcast %broadcast_in_dim3A_763 : f32 to vector<256x256xf32>
    %slice3A_765 = vector.extract_strided_slice %transpose3A {offsets = [768, 0], sizes = [256, 16], strides = [1, 1]} : vector<1024x16xf32> to vector<256x16xf32>
    %slice3A_766 = vector.extract_strided_slice %slice3A_765 {offsets = [0, 0], sizes = [256, 1], strides = [1, 1]} : vector<256x16xf32> to vector<256x1xf32>
    %slice3A_767 = vector.extract_strided_slice %get3A_1 {offsets = [0, 0], sizes = [1, 256], strides = [1, 1]} : vector<16x1024xf32> to vector<1x256xf32>
    %sub3A_768 = vector.broadcast %slice3A_766 : vector<256x1xf32> to vector<256x256xf32>
    %sub3A_769 = vector.broadcast %slice3A_767 : vector<1x256xf32> to vector<256x256xf32>
    %sub3A_770 = arith.subf %sub3A_768, %sub3A_769 : vector<256x256xf32>
    %slice3A_771 = vector.extract_strided_slice %slice3A_765 {offsets = [0, 8], sizes = [256, 1], strides = [1, 1]} : vector<256x16xf32> to vector<256x1xf32>
    %slice3A_772 = vector.extract_strided_slice %get3A_1 {offsets = [8, 0], sizes = [1, 256], strides = [1, 1]} : vector<16x1024xf32> to vector<1x256xf32>
    %sub3A_773 = vector.broadcast %slice3A_771 : vector<256x1xf32> to vector<256x256xf32>
    %sub3A_774 = vector.broadcast %slice3A_772 : vector<1x256xf32> to vector<256x256xf32>
    %sub3A_775 = arith.subf %sub3A_773, %sub3A_774 : vector<256x256xf32>
    %mul3A_776 = arith.mulf %sub3A_770, %sub3A_770 : vector<256x256xf32>
    %mul3A_777 = arith.mulf %sub3A_775, %sub3A_775 : vector<256x256xf32>
    %add3A_778 = arith.addf %mul3A_776, %mul3A_777 : vector<256x256xf32>
    %sqrt3A_779 = math.sqrt %add3A_778 : vector<256x256xf32>
    %add3A_780 = arith.addf %broadcast_in_dim3A_764, %sqrt3A_779 : vector<256x256xf32>
    %slice3A_781 = vector.extract_strided_slice %slice3A_765 {offsets = [0, 1], sizes = [256, 1], strides = [1, 1]} : vector<256x16xf32> to vector<256x1xf32>
    %slice3A_782 = vector.extract_strided_slice %get3A_1 {offsets = [1, 0], sizes = [1, 256], strides = [1, 1]} : vector<16x1024xf32> to vector<1x256xf32>
    %sub3A_783 = vector.broadcast %slice3A_781 : vector<256x1xf32> to vector<256x256xf32>
    %sub3A_784 = vector.broadcast %slice3A_782 : vector<1x256xf32> to vector<256x256xf32>
    %sub3A_785 = arith.subf %sub3A_783, %sub3A_784 : vector<256x256xf32>
    %slice3A_786 = vector.extract_strided_slice %slice3A_765 {offsets = [0, 9], sizes = [256, 1], strides = [1, 1]} : vector<256x16xf32> to vector<256x1xf32>
    %slice3A_787 = vector.extract_strided_slice %get3A_1 {offsets = [9, 0], sizes = [1, 256], strides = [1, 1]} : vector<16x1024xf32> to vector<1x256xf32>
    %sub3A_788 = vector.broadcast %slice3A_786 : vector<256x1xf32> to vector<256x256xf32>
    %sub3A_789 = vector.broadcast %slice3A_787 : vector<1x256xf32> to vector<256x256xf32>
    %sub3A_790 = arith.subf %sub3A_788, %sub3A_789 : vector<256x256xf32>
    %mul3A_791 = arith.mulf %sub3A_785, %sub3A_785 : vector<256x256xf32>
    %mul3A_792 = arith.mulf %sub3A_790, %sub3A_790 : vector<256x256xf32>
    %add3A_793 = arith.addf %mul3A_791, %mul3A_792 : vector<256x256xf32>
    %sqrt3A_794 = math.sqrt %add3A_793 : vector<256x256xf32>
    %add3A_795 = arith.addf %add3A_780, %sqrt3A_794 : vector<256x256xf32>
    %slice3A_796 = vector.extract_strided_slice %slice3A_765 {offsets = [0, 2], sizes = [256, 1], strides = [1, 1]} : vector<256x16xf32> to vector<256x1xf32>
    %slice3A_797 = vector.extract_strided_slice %get3A_1 {offsets = [2, 0], sizes = [1, 256], strides = [1, 1]} : vector<16x1024xf32> to vector<1x256xf32>
    %sub3A_798 = vector.broadcast %slice3A_796 : vector<256x1xf32> to vector<256x256xf32>
    %sub3A_799 = vector.broadcast %slice3A_797 : vector<1x256xf32> to vector<256x256xf32>
    %sub3A_800 = arith.subf %sub3A_798, %sub3A_799 : vector<256x256xf32>
    %slice3A_801 = vector.extract_strided_slice %slice3A_765 {offsets = [0, 10], sizes = [256, 1], strides = [1, 1]} : vector<256x16xf32> to vector<256x1xf32>
    %slice3A_802 = vector.extract_strided_slice %get3A_1 {offsets = [10, 0], sizes = [1, 256], strides = [1, 1]} : vector<16x1024xf32> to vector<1x256xf32>
    %sub3A_803 = vector.broadcast %slice3A_801 : vector<256x1xf32> to vector<256x256xf32>
    %sub3A_804 = vector.broadcast %slice3A_802 : vector<1x256xf32> to vector<256x256xf32>
    %sub3A_805 = arith.subf %sub3A_803, %sub3A_804 : vector<256x256xf32>
    %mul3A_806 = arith.mulf %sub3A_800, %sub3A_800 : vector<256x256xf32>
    %mul3A_807 = arith.mulf %sub3A_805, %sub3A_805 : vector<256x256xf32>
    %add3A_808 = arith.addf %mul3A_806, %mul3A_807 : vector<256x256xf32>
    %sqrt3A_809 = math.sqrt %add3A_808 : vector<256x256xf32>
    %add3A_810 = arith.addf %add3A_795, %sqrt3A_809 : vector<256x256xf32>
    %slice3A_811 = vector.extract_strided_slice %slice3A_765 {offsets = [0, 3], sizes = [256, 1], strides = [1, 1]} : vector<256x16xf32> to vector<256x1xf32>
    %slice3A_812 = vector.extract_strided_slice %get3A_1 {offsets = [3, 0], sizes = [1, 256], strides = [1, 1]} : vector<16x1024xf32> to vector<1x256xf32>
    %sub3A_813 = vector.broadcast %slice3A_811 : vector<256x1xf32> to vector<256x256xf32>
    %sub3A_814 = vector.broadcast %slice3A_812 : vector<1x256xf32> to vector<256x256xf32>
    %sub3A_815 = arith.subf %sub3A_813, %sub3A_814 : vector<256x256xf32>
    %slice3A_816 = vector.extract_strided_slice %slice3A_765 {offsets = [0, 11], sizes = [256, 1], strides = [1, 1]} : vector<256x16xf32> to vector<256x1xf32>
    %slice3A_817 = vector.extract_strided_slice %get3A_1 {offsets = [11, 0], sizes = [1, 256], strides = [1, 1]} : vector<16x1024xf32> to vector<1x256xf32>
    %sub3A_818 = vector.broadcast %slice3A_816 : vector<256x1xf32> to vector<256x256xf32>
    %sub3A_819 = vector.broadcast %slice3A_817 : vector<1x256xf32> to vector<256x256xf32>
    %sub3A_820 = arith.subf %sub3A_818, %sub3A_819 : vector<256x256xf32>
    %mul3A_821 = arith.mulf %sub3A_815, %sub3A_815 : vector<256x256xf32>
    %mul3A_822 = arith.mulf %sub3A_820, %sub3A_820 : vector<256x256xf32>
    %add3A_823 = arith.addf %mul3A_821, %mul3A_822 : vector<256x256xf32>
    %sqrt3A_824 = math.sqrt %add3A_823 : vector<256x256xf32>
    %add3A_825 = arith.addf %add3A_810, %sqrt3A_824 : vector<256x256xf32>
    %slice3A_826 = vector.extract_strided_slice %slice3A_765 {offsets = [0, 4], sizes = [256, 1], strides = [1, 1]} : vector<256x16xf32> to vector<256x1xf32>
    %slice3A_827 = vector.extract_strided_slice %get3A_1 {offsets = [4, 0], sizes = [1, 256], strides = [1, 1]} : vector<16x1024xf32> to vector<1x256xf32>
    %sub3A_828 = vector.broadcast %slice3A_826 : vector<256x1xf32> to vector<256x256xf32>
    %sub3A_829 = vector.broadcast %slice3A_827 : vector<1x256xf32> to vector<256x256xf32>
    %sub3A_830 = arith.subf %sub3A_828, %sub3A_829 : vector<256x256xf32>
    %slice3A_831 = vector.extract_strided_slice %slice3A_765 {offsets = [0, 12], sizes = [256, 1], strides = [1, 1]} : vector<256x16xf32> to vector<256x1xf32>
    %slice3A_832 = vector.extract_strided_slice %get3A_1 {offsets = [12, 0], sizes = [1, 256], strides = [1, 1]} : vector<16x1024xf32> to vector<1x256xf32>
    %sub3A_833 = vector.broadcast %slice3A_831 : vector<256x1xf32> to vector<256x256xf32>
    %sub3A_834 = vector.broadcast %slice3A_832 : vector<1x256xf32> to vector<256x256xf32>
    %sub3A_835 = arith.subf %sub3A_833, %sub3A_834 : vector<256x256xf32>
    %mul3A_836 = arith.mulf %sub3A_830, %sub3A_830 : vector<256x256xf32>
    %mul3A_837 = arith.mulf %sub3A_835, %sub3A_835 : vector<256x256xf32>
    %add3A_838 = arith.addf %mul3A_836, %mul3A_837 : vector<256x256xf32>
    %sqrt3A_839 = math.sqrt %add3A_838 : vector<256x256xf32>
    %add3A_840 = arith.addf %add3A_825, %sqrt3A_839 : vector<256x256xf32>
    %slice3A_841 = vector.extract_strided_slice %slice3A_765 {offsets = [0, 5], sizes = [256, 1], strides = [1, 1]} : vector<256x16xf32> to vector<256x1xf32>
    %slice3A_842 = vector.extract_strided_slice %get3A_1 {offsets = [5, 0], sizes = [1, 256], strides = [1, 1]} : vector<16x1024xf32> to vector<1x256xf32>
    %sub3A_843 = vector.broadcast %slice3A_841 : vector<256x1xf32> to vector<256x256xf32>
    %sub3A_844 = vector.broadcast %slice3A_842 : vector<1x256xf32> to vector<256x256xf32>
    %sub3A_845 = arith.subf %sub3A_843, %sub3A_844 : vector<256x256xf32>
    %slice3A_846 = vector.extract_strided_slice %slice3A_765 {offsets = [0, 13], sizes = [256, 1], strides = [1, 1]} : vector<256x16xf32> to vector<256x1xf32>
    %slice3A_847 = vector.extract_strided_slice %get3A_1 {offsets = [13, 0], sizes = [1, 256], strides = [1, 1]} : vector<16x1024xf32> to vector<1x256xf32>
    %sub3A_848 = vector.broadcast %slice3A_846 : vector<256x1xf32> to vector<256x256xf32>
    %sub3A_849 = vector.broadcast %slice3A_847 : vector<1x256xf32> to vector<256x256xf32>
    %sub3A_850 = arith.subf %sub3A_848, %sub3A_849 : vector<256x256xf32>
    %mul3A_851 = arith.mulf %sub3A_845, %sub3A_845 : vector<256x256xf32>
    %mul3A_852 = arith.mulf %sub3A_850, %sub3A_850 : vector<256x256xf32>
    %add3A_853 = arith.addf %mul3A_851, %mul3A_852 : vector<256x256xf32>
    %sqrt3A_854 = math.sqrt %add3A_853 : vector<256x256xf32>
    %add3A_855 = arith.addf %add3A_840, %sqrt3A_854 : vector<256x256xf32>
    %slice3A_856 = vector.extract_strided_slice %slice3A_765 {offsets = [0, 6], sizes = [256, 1], strides = [1, 1]} : vector<256x16xf32> to vector<256x1xf32>
    %slice3A_857 = vector.extract_strided_slice %get3A_1 {offsets = [6, 0], sizes = [1, 256], strides = [1, 1]} : vector<16x1024xf32> to vector<1x256xf32>
    %sub3A_858 = vector.broadcast %slice3A_856 : vector<256x1xf32> to vector<256x256xf32>
    %sub3A_859 = vector.broadcast %slice3A_857 : vector<1x256xf32> to vector<256x256xf32>
    %sub3A_860 = arith.subf %sub3A_858, %sub3A_859 : vector<256x256xf32>
    %slice3A_861 = vector.extract_strided_slice %slice3A_765 {offsets = [0, 14], sizes = [256, 1], strides = [1, 1]} : vector<256x16xf32> to vector<256x1xf32>
    %slice3A_862 = vector.extract_strided_slice %get3A_1 {offsets = [14, 0], sizes = [1, 256], strides = [1, 1]} : vector<16x1024xf32> to vector<1x256xf32>
    %sub3A_863 = vector.broadcast %slice3A_861 : vector<256x1xf32> to vector<256x256xf32>
    %sub3A_864 = vector.broadcast %slice3A_862 : vector<1x256xf32> to vector<256x256xf32>
    %sub3A_865 = arith.subf %sub3A_863, %sub3A_864 : vector<256x256xf32>
    %mul3A_866 = arith.mulf %sub3A_860, %sub3A_860 : vector<256x256xf32>
    %mul3A_867 = arith.mulf %sub3A_865, %sub3A_865 : vector<256x256xf32>
    %add3A_868 = arith.addf %mul3A_866, %mul3A_867 : vector<256x256xf32>
    %sqrt3A_869 = math.sqrt %add3A_868 : vector<256x256xf32>
    %add3A_870 = arith.addf %add3A_855, %sqrt3A_869 : vector<256x256xf32>
    %slice3A_871 = vector.extract_strided_slice %slice3A_765 {offsets = [0, 7], sizes = [256, 1], strides = [1, 1]} : vector<256x16xf32> to vector<256x1xf32>
    %slice3A_872 = vector.extract_strided_slice %get3A_1 {offsets = [7, 0], sizes = [1, 256], strides = [1, 1]} : vector<16x1024xf32> to vector<1x256xf32>
    %sub3A_873 = vector.broadcast %slice3A_871 : vector<256x1xf32> to vector<256x256xf32>
    %sub3A_874 = vector.broadcast %slice3A_872 : vector<1x256xf32> to vector<256x256xf32>
    %sub3A_875 = arith.subf %sub3A_873, %sub3A_874 : vector<256x256xf32>
    %slice3A_876 = vector.extract_strided_slice %slice3A_765 {offsets = [0, 15], sizes = [256, 1], strides = [1, 1]} : vector<256x16xf32> to vector<256x1xf32>
    %slice3A_877 = vector.extract_strided_slice %get3A_1 {offsets = [15, 0], sizes = [1, 256], strides = [1, 1]} : vector<16x1024xf32> to vector<1x256xf32>
    %sub3A_878 = vector.broadcast %slice3A_876 : vector<256x1xf32> to vector<256x256xf32>
    %sub3A_879 = vector.broadcast %slice3A_877 : vector<1x256xf32> to vector<256x256xf32>
    %sub3A_880 = arith.subf %sub3A_878, %sub3A_879 : vector<256x256xf32>
    %mul3A_881 = arith.mulf %sub3A_875, %sub3A_875 : vector<256x256xf32>
    %mul3A_882 = arith.mulf %sub3A_880, %sub3A_880 : vector<256x256xf32>
    %add3A_883 = arith.addf %mul3A_881, %mul3A_882 : vector<256x256xf32>
    %sqrt3A_884 = math.sqrt %add3A_883 : vector<256x256xf32>
    %add3A_885 = arith.addf %add3A_870, %sqrt3A_884 : vector<256x256xf32>
    %swap3A_886 = arith.constant 768 : index
    %swap3A_887 = arith.constant 0 : index
    %swap3A_888 = vector.load %arg5[%swap3A_886, %swap3A_887] : memref<1024x1024xf32, #tpu.memory_space<vmem>>, vector<256x256xf32>
    tpu.vector_store %arg5[%swap3A_886, %swap3A_887], %add3A_885 {strides = array<i32>} : memref<1024x1024xf32, #tpu.memory_space<vmem>>, vector<256x256xf32>,
    %transpose3A_889 = tpu.transpose %add3A_885, [1, 0] : vector<256x256xf32> -> vector<256x256xf32>
    %swap3A_890 = arith.constant 0 : index
    %swap3A_891 = arith.constant 768 : index
    %swap3A_892 = vector.load %arg5[%swap3A_890, %swap3A_891] : memref<1024x1024xf32, #tpu.memory_space<vmem>>, vector<256x256xf32>
    tpu.vector_store %arg5[%swap3A_890, %swap3A_891], %transpose3A_889 {strides = array<i32>} : memref<1024x1024xf32, #tpu.memory_space<vmem>>, vector<256x256xf32>,
    %broadcast_in_dim3A_893 = arith.constant 0.000000e+00 : f32
    %broadcast_in_dim3A_894 = vector.broadcast %broadcast_in_dim3A_893 : f32 to vector<256x256xf32>
    %slice3A_895 = vector.extract_strided_slice %transpose3A {offsets = [768, 0], sizes = [256, 16], strides = [1, 1]} : vector<1024x16xf32> to vector<256x16xf32>
    %slice3A_896 = vector.extract_strided_slice %slice3A_895 {offsets = [0, 0], sizes = [256, 1], strides = [1, 1]} : vector<256x16xf32> to vector<256x1xf32>
    %slice3A_897 = vector.extract_strided_slice %get3A_1 {offsets = [0, 256], sizes = [1, 256], strides = [1, 1]} : vector<16x1024xf32> to vector<1x256xf32>
    %sub3A_898 = vector.broadcast %slice3A_896 : vector<256x1xf32> to vector<256x256xf32>
    %sub3A_899 = vector.broadcast %slice3A_897 : vector<1x256xf32> to vector<256x256xf32>
    %sub3A_900 = arith.subf %sub3A_898, %sub3A_899 : vector<256x256xf32>
    %slice3A_901 = vector.extract_strided_slice %slice3A_895 {offsets = [0, 8], sizes = [256, 1], strides = [1, 1]} : vector<256x16xf32> to vector<256x1xf32>
    %slice3A_902 = vector.extract_strided_slice %get3A_1 {offsets = [8, 256], sizes = [1, 256], strides = [1, 1]} : vector<16x1024xf32> to vector<1x256xf32>
    %sub3A_903 = vector.broadcast %slice3A_901 : vector<256x1xf32> to vector<256x256xf32>
    %sub3A_904 = vector.broadcast %slice3A_902 : vector<1x256xf32> to vector<256x256xf32>
    %sub3A_905 = arith.subf %sub3A_903, %sub3A_904 : vector<256x256xf32>
    %mul3A_906 = arith.mulf %sub3A_900, %sub3A_900 : vector<256x256xf32>
    %mul3A_907 = arith.mulf %sub3A_905, %sub3A_905 : vector<256x256xf32>
    %add3A_908 = arith.addf %mul3A_906, %mul3A_907 : vector<256x256xf32>
    %sqrt3A_909 = math.sqrt %add3A_908 : vector<256x256xf32>
    %add3A_910 = arith.addf %broadcast_in_dim3A_894, %sqrt3A_909 : vector<256x256xf32>
    %slice3A_911 = vector.extract_strided_slice %slice3A_895 {offsets = [0, 1], sizes = [256, 1], strides = [1, 1]} : vector<256x16xf32> to vector<256x1xf32>
    %slice3A_912 = vector.extract_strided_slice %get3A_1 {offsets = [1, 256], sizes = [1, 256], strides = [1, 1]} : vector<16x1024xf32> to vector<1x256xf32>
    %sub3A_913 = vector.broadcast %slice3A_911 : vector<256x1xf32> to vector<256x256xf32>
    %sub3A_914 = vector.broadcast %slice3A_912 : vector<1x256xf32> to vector<256x256xf32>
    %sub3A_915 = arith.subf %sub3A_913, %sub3A_914 : vector<256x256xf32>
    %slice3A_916 = vector.extract_strided_slice %slice3A_895 {offsets = [0, 9], sizes = [256, 1], strides = [1, 1]} : vector<256x16xf32> to vector<256x1xf32>
    %slice3A_917 = vector.extract_strided_slice %get3A_1 {offsets = [9, 256], sizes = [1, 256], strides = [1, 1]} : vector<16x1024xf32> to vector<1x256xf32>
    %sub3A_918 = vector.broadcast %slice3A_916 : vector<256x1xf32> to vector<256x256xf32>
    %sub3A_919 = vector.broadcast %slice3A_917 : vector<1x256xf32> to vector<256x256xf32>
    %sub3A_920 = arith.subf %sub3A_918, %sub3A_919 : vector<256x256xf32>
    %mul3A_921 = arith.mulf %sub3A_915, %sub3A_915 : vector<256x256xf32>
    %mul3A_922 = arith.mulf %sub3A_920, %sub3A_920 : vector<256x256xf32>
    %add3A_923 = arith.addf %mul3A_921, %mul3A_922 : vector<256x256xf32>
    %sqrt3A_924 = math.sqrt %add3A_923 : vector<256x256xf32>
    %add3A_925 = arith.addf %add3A_910, %sqrt3A_924 : vector<256x256xf32>
    %slice3A_926 = vector.extract_strided_slice %slice3A_895 {offsets = [0, 2], sizes = [256, 1], strides = [1, 1]} : vector<256x16xf32> to vector<256x1xf32>
    %slice3A_927 = vector.extract_strided_slice %get3A_1 {offsets = [2, 256], sizes = [1, 256], strides = [1, 1]} : vector<16x1024xf32> to vector<1x256xf32>
    %sub3A_928 = vector.broadcast %slice3A_926 : vector<256x1xf32> to vector<256x256xf32>
    %sub3A_929 = vector.broadcast %slice3A_927 : vector<1x256xf32> to vector<256x256xf32>
    %sub3A_930 = arith.subf %sub3A_928, %sub3A_929 : vector<256x256xf32>
    %slice3A_931 = vector.extract_strided_slice %slice3A_895 {offsets = [0, 10], sizes = [256, 1], strides = [1, 1]} : vector<256x16xf32> to vector<256x1xf32>
    %slice3A_932 = vector.extract_strided_slice %get3A_1 {offsets = [10, 256], sizes = [1, 256], strides = [1, 1]} : vector<16x1024xf32> to vector<1x256xf32>
    %sub3A_933 = vector.broadcast %slice3A_931 : vector<256x1xf32> to vector<256x256xf32>
    %sub3A_934 = vector.broadcast %slice3A_932 : vector<1x256xf32> to vector<256x256xf32>
    %sub3A_935 = arith.subf %sub3A_933, %sub3A_934 : vector<256x256xf32>
    %mul3A_936 = arith.mulf %sub3A_930, %sub3A_930 : vector<256x256xf32>
    %mul3A_937 = arith.mulf %sub3A_935, %sub3A_935 : vector<256x256xf32>
    %add3A_938 = arith.addf %mul3A_936, %mul3A_937 : vector<256x256xf32>
    %sqrt3A_939 = math.sqrt %add3A_938 : vector<256x256xf32>
    %add3A_940 = arith.addf %add3A_925, %sqrt3A_939 : vector<256x256xf32>
    %slice3A_941 = vector.extract_strided_slice %slice3A_895 {offsets = [0, 3], sizes = [256, 1], strides = [1, 1]} : vector<256x16xf32> to vector<256x1xf32>
    %slice3A_942 = vector.extract_strided_slice %get3A_1 {offsets = [3, 256], sizes = [1, 256], strides = [1, 1]} : vector<16x1024xf32> to vector<1x256xf32>
    %sub3A_943 = vector.broadcast %slice3A_941 : vector<256x1xf32> to vector<256x256xf32>
    %sub3A_944 = vector.broadcast %slice3A_942 : vector<1x256xf32> to vector<256x256xf32>
    %sub3A_945 = arith.subf %sub3A_943, %sub3A_944 : vector<256x256xf32>
    %slice3A_946 = vector.extract_strided_slice %slice3A_895 {offsets = [0, 11], sizes = [256, 1], strides = [1, 1]} : vector<256x16xf32> to vector<256x1xf32>
    %slice3A_947 = vector.extract_strided_slice %get3A_1 {offsets = [11, 256], sizes = [1, 256], strides = [1, 1]} : vector<16x1024xf32> to vector<1x256xf32>
    %sub3A_948 = vector.broadcast %slice3A_946 : vector<256x1xf32> to vector<256x256xf32>
    %sub3A_949 = vector.broadcast %slice3A_947 : vector<1x256xf32> to vector<256x256xf32>
    %sub3A_950 = arith.subf %sub3A_948, %sub3A_949 : vector<256x256xf32>
    %mul3A_951 = arith.mulf %sub3A_945, %sub3A_945 : vector<256x256xf32>
    %mul3A_952 = arith.mulf %sub3A_950, %sub3A_950 : vector<256x256xf32>
    %add3A_953 = arith.addf %mul3A_951, %mul3A_952 : vector<256x256xf32>
    %sqrt3A_954 = math.sqrt %add3A_953 : vector<256x256xf32>
    %add3A_955 = arith.addf %add3A_940, %sqrt3A_954 : vector<256x256xf32>
    %slice3A_956 = vector.extract_strided_slice %slice3A_895 {offsets = [0, 4], sizes = [256, 1], strides = [1, 1]} : vector<256x16xf32> to vector<256x1xf32>
    %slice3A_957 = vector.extract_strided_slice %get3A_1 {offsets = [4, 256], sizes = [1, 256], strides = [1, 1]} : vector<16x1024xf32> to vector<1x256xf32>
    %sub3A_958 = vector.broadcast %slice3A_956 : vector<256x1xf32> to vector<256x256xf32>
    %sub3A_959 = vector.broadcast %slice3A_957 : vector<1x256xf32> to vector<256x256xf32>
    %sub3A_960 = arith.subf %sub3A_958, %sub3A_959 : vector<256x256xf32>
    %slice3A_961 = vector.extract_strided_slice %slice3A_895 {offsets = [0, 12], sizes = [256, 1], strides = [1, 1]} : vector<256x16xf32> to vector<256x1xf32>
    %slice3A_962 = vector.extract_strided_slice %get3A_1 {offsets = [12, 256], sizes = [1, 256], strides = [1, 1]} : vector<16x1024xf32> to vector<1x256xf32>
    %sub3A_963 = vector.broadcast %slice3A_961 : vector<256x1xf32> to vector<256x256xf32>
    %sub3A_964 = vector.broadcast %slice3A_962 : vector<1x256xf32> to vector<256x256xf32>
    %sub3A_965 = arith.subf %sub3A_963, %sub3A_964 : vector<256x256xf32>
    %mul3A_966 = arith.mulf %sub3A_960, %sub3A_960 : vector<256x256xf32>
    %mul3A_967 = arith.mulf %sub3A_965, %sub3A_965 : vector<256x256xf32>
    %add3A_968 = arith.addf %mul3A_966, %mul3A_967 : vector<256x256xf32>
    %sqrt3A_969 = math.sqrt %add3A_968 : vector<256x256xf32>
    %add3A_970 = arith.addf %add3A_955, %sqrt3A_969 : vector<256x256xf32>
    %slice3A_971 = vector.extract_strided_slice %slice3A_895 {offsets = [0, 5], sizes = [256, 1], strides = [1, 1]} : vector<256x16xf32> to vector<256x1xf32>
    %slice3A_972 = vector.extract_strided_slice %get3A_1 {offsets = [5, 256], sizes = [1, 256], strides = [1, 1]} : vector<16x1024xf32> to vector<1x256xf32>
    %sub3A_973 = vector.broadcast %slice3A_971 : vector<256x1xf32> to vector<256x256xf32>
    %sub3A_974 = vector.broadcast %slice3A_972 : vector<1x256xf32> to vector<256x256xf32>
    %sub3A_975 = arith.subf %sub3A_973, %sub3A_974 : vector<256x256xf32>
    %slice3A_976 = vector.extract_strided_slice %slice3A_895 {offsets = [0, 13], sizes = [256, 1], strides = [1, 1]} : vector<256x16xf32> to vector<256x1xf32>
    %slice3A_977 = vector.extract_strided_slice %get3A_1 {offsets = [13, 256], sizes = [1, 256], strides = [1, 1]} : vector<16x1024xf32> to vector<1x256xf32>
    %sub3A_978 = vector.broadcast %slice3A_976 : vector<256x1xf32> to vector<256x256xf32>
    %sub3A_979 = vector.broadcast %slice3A_977 : vector<1x256xf32> to vector<256x256xf32>
    %sub3A_980 = arith.subf %sub3A_978, %sub3A_979 : vector<256x256xf32>
    %mul3A_981 = arith.mulf %sub3A_975, %sub3A_975 : vector<256x256xf32>
    %mul3A_982 = arith.mulf %sub3A_980, %sub3A_980 : vector<256x256xf32>
    %add3A_983 = arith.addf %mul3A_981, %mul3A_982 : vector<256x256xf32>
    %sqrt3A_984 = math.sqrt %add3A_983 : vector<256x256xf32>
    %add3A_985 = arith.addf %add3A_970, %sqrt3A_984 : vector<256x256xf32>
    %slice3A_986 = vector.extract_strided_slice %slice3A_895 {offsets = [0, 6], sizes = [256, 1], strides = [1, 1]} : vector<256x16xf32> to vector<256x1xf32>
    %slice3A_987 = vector.extract_strided_slice %get3A_1 {offsets = [6, 256], sizes = [1, 256], strides = [1, 1]} : vector<16x1024xf32> to vector<1x256xf32>
    %sub3A_988 = vector.broadcast %slice3A_986 : vector<256x1xf32> to vector<256x256xf32>
    %sub3A_989 = vector.broadcast %slice3A_987 : vector<1x256xf32> to vector<256x256xf32>
    %sub3A_990 = arith.subf %sub3A_988, %sub3A_989 : vector<256x256xf32>
    %slice3A_991 = vector.extract_strided_slice %slice3A_895 {offsets = [0, 14], sizes = [256, 1], strides = [1, 1]} : vector<256x16xf32> to vector<256x1xf32>
    %slice3A_992 = vector.extract_strided_slice %get3A_1 {offsets = [14, 256], sizes = [1, 256], strides = [1, 1]} : vector<16x1024xf32> to vector<1x256xf32>
    %sub3A_993 = vector.broadcast %slice3A_991 : vector<256x1xf32> to vector<256x256xf32>
    %sub3A_994 = vector.broadcast %slice3A_992 : vector<1x256xf32> to vector<256x256xf32>
    %sub3A_995 = arith.subf %sub3A_993, %sub3A_994 : vector<256x256xf32>
    %mul3A_996 = arith.mulf %sub3A_990, %sub3A_990 : vector<256x256xf32>
    %mul3A_997 = arith.mulf %sub3A_995, %sub3A_995 : vector<256x256xf32>
    %add3A_998 = arith.addf %mul3A_996, %mul3A_997 : vector<256x256xf32>
    %sqrt3A_999 = math.sqrt %add3A_998 : vector<256x256xf32>
    %add3A_1000 = arith.addf %add3A_985, %sqrt3A_999 : vector<256x256xf32>
    %slice3A_1001 = vector.extract_strided_slice %slice3A_895 {offsets = [0, 7], sizes = [256, 1], strides = [1, 1]} : vector<256x16xf32> to vector<256x1xf32>
    %slice3A_1002 = vector.extract_strided_slice %get3A_1 {offsets = [7, 256], sizes = [1, 256], strides = [1, 1]} : vector<16x1024xf32> to vector<1x256xf32>
    %sub3A_1003 = vector.broadcast %slice3A_1001 : vector<256x1xf32> to vector<256x256xf32>
    %sub3A_1004 = vector.broadcast %slice3A_1002 : vector<1x256xf32> to vector<256x256xf32>
    %sub3A_1005 = arith.subf %sub3A_1003, %sub3A_1004 : vector<256x256xf32>
    %slice3A_1006 = vector.extract_strided_slice %slice3A_895 {offsets = [0, 15], sizes = [256, 1], strides = [1, 1]} : vector<256x16xf32> to vector<256x1xf32>
    %slice3A_1007 = vector.extract_strided_slice %get3A_1 {offsets = [15, 256], sizes = [1, 256], strides = [1, 1]} : vector<16x1024xf32> to vector<1x256xf32>
    %sub3A_1008 = vector.broadcast %slice3A_1006 : vector<256x1xf32> to vector<256x256xf32>
    %sub3A_1009 = vector.broadcast %slice3A_1007 : vector<1x256xf32> to vector<256x256xf32>
    %sub3A_1010 = arith.subf %sub3A_1008, %sub3A_1009 : vector<256x256xf32>
    %mul3A_1011 = arith.mulf %sub3A_1005, %sub3A_1005 : vector<256x256xf32>
    %mul3A_1012 = arith.mulf %sub3A_1010, %sub3A_1010 : vector<256x256xf32>
    %add3A_1013 = arith.addf %mul3A_1011, %mul3A_1012 : vector<256x256xf32>
    %sqrt3A_1014 = math.sqrt %add3A_1013 : vector<256x256xf32>
    %add3A_1015 = arith.addf %add3A_1000, %sqrt3A_1014 : vector<256x256xf32>
    %swap3A_1016 = arith.constant 768 : index
    %swap3A_1017 = arith.constant 256 : index
    %swap3A_1018 = vector.load %arg5[%swap3A_1016, %swap3A_1017] : memref<1024x1024xf32, #tpu.memory_space<vmem>>, vector<256x256xf32>
    tpu.vector_store %arg5[%swap3A_1016, %swap3A_1017], %add3A_1015 {strides = array<i32>} : memref<1024x1024xf32, #tpu.memory_space<vmem>>, vector<256x256xf32>,
    %transpose3A_1019 = tpu.transpose %add3A_1015, [1, 0] : vector<256x256xf32> -> vector<256x256xf32>
    %swap3A_1020 = arith.constant 256 : index
    %swap3A_1021 = arith.constant 768 : index
    %swap3A_1022 = vector.load %arg5[%swap3A_1020, %swap3A_1021] : memref<1024x1024xf32, #tpu.memory_space<vmem>>, vector<256x256xf32>
    tpu.vector_store %arg5[%swap3A_1020, %swap3A_1021], %transpose3A_1019 {strides = array<i32>} : memref<1024x1024xf32, #tpu.memory_space<vmem>>, vector<256x256xf32>,
    %broadcast_in_dim3A_1023 = arith.constant 0.000000e+00 : f32
    %broadcast_in_dim3A_1024 = vector.broadcast %broadcast_in_dim3A_1023 : f32 to vector<256x256xf32>
    %slice3A_1025 = vector.extract_strided_slice %transpose3A {offsets = [768, 0], sizes = [256, 16], strides = [1, 1]} : vector<1024x16xf32> to vector<256x16xf32>
    %slice3A_1026 = vector.extract_strided_slice %slice3A_1025 {offsets = [0, 0], sizes = [256, 1], strides = [1, 1]} : vector<256x16xf32> to vector<256x1xf32>
    %slice3A_1027 = vector.extract_strided_slice %get3A_1 {offsets = [0, 512], sizes = [1, 256], strides = [1, 1]} : vector<16x1024xf32> to vector<1x256xf32>
    %sub3A_1028 = vector.broadcast %slice3A_1026 : vector<256x1xf32> to vector<256x256xf32>
    %sub3A_1029 = vector.broadcast %slice3A_1027 : vector<1x256xf32> to vector<256x256xf32>
    %sub3A_1030 = arith.subf %sub3A_1028, %sub3A_1029 : vector<256x256xf32>
    %slice3A_1031 = vector.extract_strided_slice %slice3A_1025 {offsets = [0, 8], sizes = [256, 1], strides = [1, 1]} : vector<256x16xf32> to vector<256x1xf32>
    %slice3A_1032 = vector.extract_strided_slice %get3A_1 {offsets = [8, 512], sizes = [1, 256], strides = [1, 1]} : vector<16x1024xf32> to vector<1x256xf32>
    %sub3A_1033 = vector.broadcast %slice3A_1031 : vector<256x1xf32> to vector<256x256xf32>
    %sub3A_1034 = vector.broadcast %slice3A_1032 : vector<1x256xf32> to vector<256x256xf32>
    %sub3A_1035 = arith.subf %sub3A_1033, %sub3A_1034 : vector<256x256xf32>
    %mul3A_1036 = arith.mulf %sub3A_1030, %sub3A_1030 : vector<256x256xf32>
    %mul3A_1037 = arith.mulf %sub3A_1035, %sub3A_1035 : vector<256x256xf32>
    %add3A_1038 = arith.addf %mul3A_1036, %mul3A_1037 : vector<256x256xf32>
    %sqrt3A_1039 = math.sqrt %add3A_1038 : vector<256x256xf32>
    %add3A_1040 = arith.addf %broadcast_in_dim3A_1024, %sqrt3A_1039 : vector<256x256xf32>
    %slice3A_1041 = vector.extract_strided_slice %slice3A_1025 {offsets = [0, 1], sizes = [256, 1], strides = [1, 1]} : vector<256x16xf32> to vector<256x1xf32>
    %slice3A_1042 = vector.extract_strided_slice %get3A_1 {offsets = [1, 512], sizes = [1, 256], strides = [1, 1]} : vector<16x1024xf32> to vector<1x256xf32>
    %sub3A_1043 = vector.broadcast %slice3A_1041 : vector<256x1xf32> to vector<256x256xf32>
    %sub3A_1044 = vector.broadcast %slice3A_1042 : vector<1x256xf32> to vector<256x256xf32>
    %sub3A_1045 = arith.subf %sub3A_1043, %sub3A_1044 : vector<256x256xf32>
    %slice3A_1046 = vector.extract_strided_slice %slice3A_1025 {offsets = [0, 9], sizes = [256, 1], strides = [1, 1]} : vector<256x16xf32> to vector<256x1xf32>
    %slice3A_1047 = vector.extract_strided_slice %get3A_1 {offsets = [9, 512], sizes = [1, 256], strides = [1, 1]} : vector<16x1024xf32> to vector<1x256xf32>
    %sub3A_1048 = vector.broadcast %slice3A_1046 : vector<256x1xf32> to vector<256x256xf32>
    %sub3A_1049 = vector.broadcast %slice3A_1047 : vector<1x256xf32> to vector<256x256xf32>
    %sub3A_1050 = arith.subf %sub3A_1048, %sub3A_1049 : vector<256x256xf32>
    %mul3A_1051 = arith.mulf %sub3A_1045, %sub3A_1045 : vector<256x256xf32>
    %mul3A_1052 = arith.mulf %sub3A_1050, %sub3A_1050 : vector<256x256xf32>
    %add3A_1053 = arith.addf %mul3A_1051, %mul3A_1052 : vector<256x256xf32>
    %sqrt3A_1054 = math.sqrt %add3A_1053 : vector<256x256xf32>
    %add3A_1055 = arith.addf %add3A_1040, %sqrt3A_1054 : vector<256x256xf32>
    %slice3A_1056 = vector.extract_strided_slice %slice3A_1025 {offsets = [0, 2], sizes = [256, 1], strides = [1, 1]} : vector<256x16xf32> to vector<256x1xf32>
    %slice3A_1057 = vector.extract_strided_slice %get3A_1 {offsets = [2, 512], sizes = [1, 256], strides = [1, 1]} : vector<16x1024xf32> to vector<1x256xf32>
    %sub3A_1058 = vector.broadcast %slice3A_1056 : vector<256x1xf32> to vector<256x256xf32>
    %sub3A_1059 = vector.broadcast %slice3A_1057 : vector<1x256xf32> to vector<256x256xf32>
    %sub3A_1060 = arith.subf %sub3A_1058, %sub3A_1059 : vector<256x256xf32>
    %slice3A_1061 = vector.extract_strided_slice %slice3A_1025 {offsets = [0, 10], sizes = [256, 1], strides = [1, 1]} : vector<256x16xf32> to vector<256x1xf32>
    %slice3A_1062 = vector.extract_strided_slice %get3A_1 {offsets = [10, 512], sizes = [1, 256], strides = [1, 1]} : vector<16x1024xf32> to vector<1x256xf32>
    %sub3A_1063 = vector.broadcast %slice3A_1061 : vector<256x1xf32> to vector<256x256xf32>
    %sub3A_1064 = vector.broadcast %slice3A_1062 : vector<1x256xf32> to vector<256x256xf32>
    %sub3A_1065 = arith.subf %sub3A_1063, %sub3A_1064 : vector<256x256xf32>
    %mul3A_1066 = arith.mulf %sub3A_1060, %sub3A_1060 : vector<256x256xf32>
    %mul3A_1067 = arith.mulf %sub3A_1065, %sub3A_1065 : vector<256x256xf32>
    %add3A_1068 = arith.addf %mul3A_1066, %mul3A_1067 : vector<256x256xf32>
    %sqrt3A_1069 = math.sqrt %add3A_1068 : vector<256x256xf32>
    %add3A_1070 = arith.addf %add3A_1055, %sqrt3A_1069 : vector<256x256xf32>
    %slice3A_1071 = vector.extract_strided_slice %slice3A_1025 {offsets = [0, 3], sizes = [256, 1], strides = [1, 1]} : vector<256x16xf32> to vector<256x1xf32>
    %slice3A_1072 = vector.extract_strided_slice %get3A_1 {offsets = [3, 512], sizes = [1, 256], strides = [1, 1]} : vector<16x1024xf32> to vector<1x256xf32>
    %sub3A_1073 = vector.broadcast %slice3A_1071 : vector<256x1xf32> to vector<256x256xf32>
    %sub3A_1074 = vector.broadcast %slice3A_1072 : vector<1x256xf32> to vector<256x256xf32>
    %sub3A_1075 = arith.subf %sub3A_1073, %sub3A_1074 : vector<256x256xf32>
    %slice3A_1076 = vector.extract_strided_slice %slice3A_1025 {offsets = [0, 11], sizes = [256, 1], strides = [1, 1]} : vector<256x16xf32> to vector<256x1xf32>
    %slice3A_1077 = vector.extract_strided_slice %get3A_1 {offsets = [11, 512], sizes = [1, 256], strides = [1, 1]} : vector<16x1024xf32> to vector<1x256xf32>
    %sub3A_1078 = vector.broadcast %slice3A_1076 : vector<256x1xf32> to vector<256x256xf32>
    %sub3A_1079 = vector.broadcast %slice3A_1077 : vector<1x256xf32> to vector<256x256xf32>
    %sub3A_1080 = arith.subf %sub3A_1078, %sub3A_1079 : vector<256x256xf32>
    %mul3A_1081 = arith.mulf %sub3A_1075, %sub3A_1075 : vector<256x256xf32>
    %mul3A_1082 = arith.mulf %sub3A_1080, %sub3A_1080 : vector<256x256xf32>
    %add3A_1083 = arith.addf %mul3A_1081, %mul3A_1082 : vector<256x256xf32>
    %sqrt3A_1084 = math.sqrt %add3A_1083 : vector<256x256xf32>
    %add3A_1085 = arith.addf %add3A_1070, %sqrt3A_1084 : vector<256x256xf32>
    %slice3A_1086 = vector.extract_strided_slice %slice3A_1025 {offsets = [0, 4], sizes = [256, 1], strides = [1, 1]} : vector<256x16xf32> to vector<256x1xf32>
    %slice3A_1087 = vector.extract_strided_slice %get3A_1 {offsets = [4, 512], sizes = [1, 256], strides = [1, 1]} : vector<16x1024xf32> to vector<1x256xf32>
    %sub3A_1088 = vector.broadcast %slice3A_1086 : vector<256x1xf32> to vector<256x256xf32>
    %sub3A_1089 = vector.broadcast %slice3A_1087 : vector<1x256xf32> to vector<256x256xf32>
    %sub3A_1090 = arith.subf %sub3A_1088, %sub3A_1089 : vector<256x256xf32>
    %slice3A_1091 = vector.extract_strided_slice %slice3A_1025 {offsets = [0, 12], sizes = [256, 1], strides = [1, 1]} : vector<256x16xf32> to vector<256x1xf32>
    %slice3A_1092 = vector.extract_strided_slice %get3A_1 {offsets = [12, 512], sizes = [1, 256], strides = [1, 1]} : vector<16x1024xf32> to vector<1x256xf32>
    %sub3A_1093 = vector.broadcast %slice3A_1091 : vector<256x1xf32> to vector<256x256xf32>
    %sub3A_1094 = vector.broadcast %slice3A_1092 : vector<1x256xf32> to vector<256x256xf32>
    %sub3A_1095 = arith.subf %sub3A_1093, %sub3A_1094 : vector<256x256xf32>
    %mul3A_1096 = arith.mulf %sub3A_1090, %sub3A_1090 : vector<256x256xf32>
    %mul3A_1097 = arith.mulf %sub3A_1095, %sub3A_1095 : vector<256x256xf32>
    %add3A_1098 = arith.addf %mul3A_1096, %mul3A_1097 : vector<256x256xf32>
    %sqrt3A_1099 = math.sqrt %add3A_1098 : vector<256x256xf32>
    %add3A_1100 = arith.addf %add3A_1085, %sqrt3A_1099 : vector<256x256xf32>
    %slice3A_1101 = vector.extract_strided_slice %slice3A_1025 {offsets = [0, 5], sizes = [256, 1], strides = [1, 1]} : vector<256x16xf32> to vector<256x1xf32>
    %slice3A_1102 = vector.extract_strided_slice %get3A_1 {offsets = [5, 512], sizes = [1, 256], strides = [1, 1]} : vector<16x1024xf32> to vector<1x256xf32>
    %sub3A_1103 = vector.broadcast %slice3A_1101 : vector<256x1xf32> to vector<256x256xf32>
    %sub3A_1104 = vector.broadcast %slice3A_1102 : vector<1x256xf32> to vector<256x256xf32>
    %sub3A_1105 = arith.subf %sub3A_1103, %sub3A_1104 : vector<256x256xf32>
    %slice3A_1106 = vector.extract_strided_slice %slice3A_1025 {offsets = [0, 13], sizes = [256, 1], strides = [1, 1]} : vector<256x16xf32> to vector<256x1xf32>
    %slice3A_1107 = vector.extract_strided_slice %get3A_1 {offsets = [13, 512], sizes = [1, 256], strides = [1, 1]} : vector<16x1024xf32> to vector<1x256xf32>
    %sub3A_1108 = vector.broadcast %slice3A_1106 : vector<256x1xf32> to vector<256x256xf32>
    %sub3A_1109 = vector.broadcast %slice3A_1107 : vector<1x256xf32> to vector<256x256xf32>
    %sub3A_1110 = arith.subf %sub3A_1108, %sub3A_1109 : vector<256x256xf32>
    %mul3A_1111 = arith.mulf %sub3A_1105, %sub3A_1105 : vector<256x256xf32>
    %mul3A_1112 = arith.mulf %sub3A_1110, %sub3A_1110 : vector<256x256xf32>
    %add3A_1113 = arith.addf %mul3A_1111, %mul3A_1112 : vector<256x256xf32>
    %sqrt3A_1114 = math.sqrt %add3A_1113 : vector<256x256xf32>
    %add3A_1115 = arith.addf %add3A_1100, %sqrt3A_1114 : vector<256x256xf32>
    %slice3A_1116 = vector.extract_strided_slice %slice3A_1025 {offsets = [0, 6], sizes = [256, 1], strides = [1, 1]} : vector<256x16xf32> to vector<256x1xf32>
    %slice3A_1117 = vector.extract_strided_slice %get3A_1 {offsets = [6, 512], sizes = [1, 256], strides = [1, 1]} : vector<16x1024xf32> to vector<1x256xf32>
    %sub3A_1118 = vector.broadcast %slice3A_1116 : vector<256x1xf32> to vector<256x256xf32>
    %sub3A_1119 = vector.broadcast %slice3A_1117 : vector<1x256xf32> to vector<256x256xf32>
    %sub3A_1120 = arith.subf %sub3A_1118, %sub3A_1119 : vector<256x256xf32>
    %slice3A_1121 = vector.extract_strided_slice %slice3A_1025 {offsets = [0, 14], sizes = [256, 1], strides = [1, 1]} : vector<256x16xf32> to vector<256x1xf32>
    %slice3A_1122 = vector.extract_strided_slice %get3A_1 {offsets = [14, 512], sizes = [1, 256], strides = [1, 1]} : vector<16x1024xf32> to vector<1x256xf32>
    %sub3A_1123 = vector.broadcast %slice3A_1121 : vector<256x1xf32> to vector<256x256xf32>
    %sub3A_1124 = vector.broadcast %slice3A_1122 : vector<1x256xf32> to vector<256x256xf32>
    %sub3A_1125 = arith.subf %sub3A_1123, %sub3A_1124 : vector<256x256xf32>
    %mul3A_1126 = arith.mulf %sub3A_1120, %sub3A_1120 : vector<256x256xf32>
    %mul3A_1127 = arith.mulf %sub3A_1125, %sub3A_1125 : vector<256x256xf32>
    %add3A_1128 = arith.addf %mul3A_1126, %mul3A_1127 : vector<256x256xf32>
    %sqrt3A_1129 = math.sqrt %add3A_1128 : vector<256x256xf32>
    %add3A_1130 = arith.addf %add3A_1115, %sqrt3A_1129 : vector<256x256xf32>
    %slice3A_1131 = vector.extract_strided_slice %slice3A_1025 {offsets = [0, 7], sizes = [256, 1], strides = [1, 1]} : vector<256x16xf32> to vector<256x1xf32>
    %slice3A_1132 = vector.extract_strided_slice %get3A_1 {offsets = [7, 512], sizes = [1, 256], strides = [1, 1]} : vector<16x1024xf32> to vector<1x256xf32>
    %sub3A_1133 = vector.broadcast %slice3A_1131 : vector<256x1xf32> to vector<256x256xf32>
    %sub3A_1134 = vector.broadcast %slice3A_1132 : vector<1x256xf32> to vector<256x256xf32>
    %sub3A_1135 = arith.subf %sub3A_1133, %sub3A_1134 : vector<256x256xf32>
    %slice3A_1136 = vector.extract_strided_slice %slice3A_1025 {offsets = [0, 15], sizes = [256, 1], strides = [1, 1]} : vector<256x16xf32> to vector<256x1xf32>
    %slice3A_1137 = vector.extract_strided_slice %get3A_1 {offsets = [15, 512], sizes = [1, 256], strides = [1, 1]} : vector<16x1024xf32> to vector<1x256xf32>
    %sub3A_1138 = vector.broadcast %slice3A_1136 : vector<256x1xf32> to vector<256x256xf32>
    %sub3A_1139 = vector.broadcast %slice3A_1137 : vector<1x256xf32> to vector<256x256xf32>
    %sub3A_1140 = arith.subf %sub3A_1138, %sub3A_1139 : vector<256x256xf32>
    %mul3A_1141 = arith.mulf %sub3A_1135, %sub3A_1135 : vector<256x256xf32>
    %mul3A_1142 = arith.mulf %sub3A_1140, %sub3A_1140 : vector<256x256xf32>
    %add3A_1143 = arith.addf %mul3A_1141, %mul3A_1142 : vector<256x256xf32>
    %sqrt3A_1144 = math.sqrt %add3A_1143 : vector<256x256xf32>
    %add3A_1145 = arith.addf %add3A_1130, %sqrt3A_1144 : vector<256x256xf32>
    %swap3A_1146 = arith.constant 768 : index
    %swap3A_1147 = arith.constant 512 : index
    %swap3A_1148 = vector.load %arg5[%swap3A_1146, %swap3A_1147] : memref<1024x1024xf32, #tpu.memory_space<vmem>>, vector<256x256xf32>
    tpu.vector_store %arg5[%swap3A_1146, %swap3A_1147], %add3A_1145 {strides = array<i32>} : memref<1024x1024xf32, #tpu.memory_space<vmem>>, vector<256x256xf32>,
    %transpose3A_1149 = tpu.transpose %add3A_1145, [1, 0] : vector<256x256xf32> -> vector<256x256xf32>
    %swap3A_1150 = arith.constant 512 : index
    %swap3A_1151 = arith.constant 768 : index
    %swap3A_1152 = vector.load %arg5[%swap3A_1150, %swap3A_1151] : memref<1024x1024xf32, #tpu.memory_space<vmem>>, vector<256x256xf32>
    tpu.vector_store %arg5[%swap3A_1150, %swap3A_1151], %transpose3A_1149 {strides = array<i32>} : memref<1024x1024xf32, #tpu.memory_space<vmem>>, vector<256x256xf32>,
    %broadcast_in_dim3A_1153 = arith.constant 0.000000e+00 : f32
    %broadcast_in_dim3A_1154 = vector.broadcast %broadcast_in_dim3A_1153 : f32 to vector<256x256xf32>
    %slice3A_1155 = vector.extract_strided_slice %transpose3A {offsets = [768, 0], sizes = [256, 16], strides = [1, 1]} : vector<1024x16xf32> to vector<256x16xf32>
    %slice3A_1156 = vector.extract_strided_slice %slice3A_1155 {offsets = [0, 0], sizes = [256, 1], strides = [1, 1]} : vector<256x16xf32> to vector<256x1xf32>
    %slice3A_1157 = vector.extract_strided_slice %get3A_1 {offsets = [0, 768], sizes = [1, 256], strides = [1, 1]} : vector<16x1024xf32> to vector<1x256xf32>
    %sub3A_1158 = vector.broadcast %slice3A_1156 : vector<256x1xf32> to vector<256x256xf32>
    %sub3A_1159 = vector.broadcast %slice3A_1157 : vector<1x256xf32> to vector<256x256xf32>
    %sub3A_1160 = arith.subf %sub3A_1158, %sub3A_1159 : vector<256x256xf32>
    %slice3A_1161 = vector.extract_strided_slice %slice3A_1155 {offsets = [0, 8], sizes = [256, 1], strides = [1, 1]} : vector<256x16xf32> to vector<256x1xf32>
    %slice3A_1162 = vector.extract_strided_slice %get3A_1 {offsets = [8, 768], sizes = [1, 256], strides = [1, 1]} : vector<16x1024xf32> to vector<1x256xf32>
    %sub3A_1163 = vector.broadcast %slice3A_1161 : vector<256x1xf32> to vector<256x256xf32>
    %sub3A_1164 = vector.broadcast %slice3A_1162 : vector<1x256xf32> to vector<256x256xf32>
    %sub3A_1165 = arith.subf %sub3A_1163, %sub3A_1164 : vector<256x256xf32>
    %mul3A_1166 = arith.mulf %sub3A_1160, %sub3A_1160 : vector<256x256xf32>
    %mul3A_1167 = arith.mulf %sub3A_1165, %sub3A_1165 : vector<256x256xf32>
    %add3A_1168 = arith.addf %mul3A_1166, %mul3A_1167 : vector<256x256xf32>
    %sqrt3A_1169 = math.sqrt %add3A_1168 : vector<256x256xf32>
    %add3A_1170 = arith.addf %broadcast_in_dim3A_1154, %sqrt3A_1169 : vector<256x256xf32>
    %slice3A_1171 = vector.extract_strided_slice %slice3A_1155 {offsets = [0, 1], sizes = [256, 1], strides = [1, 1]} : vector<256x16xf32> to vector<256x1xf32>
    %slice3A_1172 = vector.extract_strided_slice %get3A_1 {offsets = [1, 768], sizes = [1, 256], strides = [1, 1]} : vector<16x1024xf32> to vector<1x256xf32>
    %sub3A_1173 = vector.broadcast %slice3A_1171 : vector<256x1xf32> to vector<256x256xf32>
    %sub3A_1174 = vector.broadcast %slice3A_1172 : vector<1x256xf32> to vector<256x256xf32>
    %sub3A_1175 = arith.subf %sub3A_1173, %sub3A_1174 : vector<256x256xf32>
    %slice3A_1176 = vector.extract_strided_slice %slice3A_1155 {offsets = [0, 9], sizes = [256, 1], strides = [1, 1]} : vector<256x16xf32> to vector<256x1xf32>
    %slice3A_1177 = vector.extract_strided_slice %get3A_1 {offsets = [9, 768], sizes = [1, 256], strides = [1, 1]} : vector<16x1024xf32> to vector<1x256xf32>
    %sub3A_1178 = vector.broadcast %slice3A_1176 : vector<256x1xf32> to vector<256x256xf32>
    %sub3A_1179 = vector.broadcast %slice3A_1177 : vector<1x256xf32> to vector<256x256xf32>
    %sub3A_1180 = arith.subf %sub3A_1178, %sub3A_1179 : vector<256x256xf32>
    %mul3A_1181 = arith.mulf %sub3A_1175, %sub3A_1175 : vector<256x256xf32>
    %mul3A_1182 = arith.mulf %sub3A_1180, %sub3A_1180 : vector<256x256xf32>
    %add3A_1183 = arith.addf %mul3A_1181, %mul3A_1182 : vector<256x256xf32>
    %sqrt3A_1184 = math.sqrt %add3A_1183 : vector<256x256xf32>
    %add3A_1185 = arith.addf %add3A_1170, %sqrt3A_1184 : vector<256x256xf32>
    %slice3A_1186 = vector.extract_strided_slice %slice3A_1155 {offsets = [0, 2], sizes = [256, 1], strides = [1, 1]} : vector<256x16xf32> to vector<256x1xf32>
    %slice3A_1187 = vector.extract_strided_slice %get3A_1 {offsets = [2, 768], sizes = [1, 256], strides = [1, 1]} : vector<16x1024xf32> to vector<1x256xf32>
    %sub3A_1188 = vector.broadcast %slice3A_1186 : vector<256x1xf32> to vector<256x256xf32>
    %sub3A_1189 = vector.broadcast %slice3A_1187 : vector<1x256xf32> to vector<256x256xf32>
    %sub3A_1190 = arith.subf %sub3A_1188, %sub3A_1189 : vector<256x256xf32>
    %slice3A_1191 = vector.extract_strided_slice %slice3A_1155 {offsets = [0, 10], sizes = [256, 1], strides = [1, 1]} : vector<256x16xf32> to vector<256x1xf32>
    %slice3A_1192 = vector.extract_strided_slice %get3A_1 {offsets = [10, 768], sizes = [1, 256], strides = [1, 1]} : vector<16x1024xf32> to vector<1x256xf32>
    %sub3A_1193 = vector.broadcast %slice3A_1191 : vector<256x1xf32> to vector<256x256xf32>
    %sub3A_1194 = vector.broadcast %slice3A_1192 : vector<1x256xf32> to vector<256x256xf32>
    %sub3A_1195 = arith.subf %sub3A_1193, %sub3A_1194 : vector<256x256xf32>
    %mul3A_1196 = arith.mulf %sub3A_1190, %sub3A_1190 : vector<256x256xf32>
    %mul3A_1197 = arith.mulf %sub3A_1195, %sub3A_1195 : vector<256x256xf32>
    %add3A_1198 = arith.addf %mul3A_1196, %mul3A_1197 : vector<256x256xf32>
    %sqrt3A_1199 = math.sqrt %add3A_1198 : vector<256x256xf32>
    %add3A_1200 = arith.addf %add3A_1185, %sqrt3A_1199 : vector<256x256xf32>
    %slice3A_1201 = vector.extract_strided_slice %slice3A_1155 {offsets = [0, 3], sizes = [256, 1], strides = [1, 1]} : vector<256x16xf32> to vector<256x1xf32>
    %slice3A_1202 = vector.extract_strided_slice %get3A_1 {offsets = [3, 768], sizes = [1, 256], strides = [1, 1]} : vector<16x1024xf32> to vector<1x256xf32>
    %sub3A_1203 = vector.broadcast %slice3A_1201 : vector<256x1xf32> to vector<256x256xf32>
    %sub3A_1204 = vector.broadcast %slice3A_1202 : vector<1x256xf32> to vector<256x256xf32>
    %sub3A_1205 = arith.subf %sub3A_1203, %sub3A_1204 : vector<256x256xf32>
    %slice3A_1206 = vector.extract_strided_slice %slice3A_1155 {offsets = [0, 11], sizes = [256, 1], strides = [1, 1]} : vector<256x16xf32> to vector<256x1xf32>
    %slice3A_1207 = vector.extract_strided_slice %get3A_1 {offsets = [11, 768], sizes = [1, 256], strides = [1, 1]} : vector<16x1024xf32> to vector<1x256xf32>
    %sub3A_1208 = vector.broadcast %slice3A_1206 : vector<256x1xf32> to vector<256x256xf32>
    %sub3A_1209 = vector.broadcast %slice3A_1207 : vector<1x256xf32> to vector<256x256xf32>
    %sub3A_1210 = arith.subf %sub3A_1208, %sub3A_1209 : vector<256x256xf32>
    %mul3A_1211 = arith.mulf %sub3A_1205, %sub3A_1205 : vector<256x256xf32>
    %mul3A_1212 = arith.mulf %sub3A_1210, %sub3A_1210 : vector<256x256xf32>
    %add3A_1213 = arith.addf %mul3A_1211, %mul3A_1212 : vector<256x256xf32>
    %sqrt3A_1214 = math.sqrt %add3A_1213 : vector<256x256xf32>
    %add3A_1215 = arith.addf %add3A_1200, %sqrt3A_1214 : vector<256x256xf32>
    %slice3A_1216 = vector.extract_strided_slice %slice3A_1155 {offsets = [0, 4], sizes = [256, 1], strides = [1, 1]} : vector<256x16xf32> to vector<256x1xf32>
    %slice3A_1217 = vector.extract_strided_slice %get3A_1 {offsets = [4, 768], sizes = [1, 256], strides = [1, 1]} : vector<16x1024xf32> to vector<1x256xf32>
    %sub3A_1218 = vector.broadcast %slice3A_1216 : vector<256x1xf32> to vector<256x256xf32>
    %sub3A_1219 = vector.broadcast %slice3A_1217 : vector<1x256xf32> to vector<256x256xf32>
    %sub3A_1220 = arith.subf %sub3A_1218, %sub3A_1219 : vector<256x256xf32>
    %slice3A_1221 = vector.extract_strided_slice %slice3A_1155 {offsets = [0, 12], sizes = [256, 1], strides = [1, 1]} : vector<256x16xf32> to vector<256x1xf32>
    %slice3A_1222 = vector.extract_strided_slice %get3A_1 {offsets = [12, 768], sizes = [1, 256], strides = [1, 1]} : vector<16x1024xf32> to vector<1x256xf32>
    %sub3A_1223 = vector.broadcast %slice3A_1221 : vector<256x1xf32> to vector<256x256xf32>
    %sub3A_1224 = vector.broadcast %slice3A_1222 : vector<1x256xf32> to vector<256x256xf32>
    %sub3A_1225 = arith.subf %sub3A_1223, %sub3A_1224 : vector<256x256xf32>
    %mul3A_1226 = arith.mulf %sub3A_1220, %sub3A_1220 : vector<256x256xf32>
    %mul3A_1227 = arith.mulf %sub3A_1225, %sub3A_1225 : vector<256x256xf32>
    %add3A_1228 = arith.addf %mul3A_1226, %mul3A_1227 : vector<256x256xf32>
    %sqrt3A_1229 = math.sqrt %add3A_1228 : vector<256x256xf32>
    %add3A_1230 = arith.addf %add3A_1215, %sqrt3A_1229 : vector<256x256xf32>
    %slice3A_1231 = vector.extract_strided_slice %slice3A_1155 {offsets = [0, 5], sizes = [256, 1], strides = [1, 1]} : vector<256x16xf32> to vector<256x1xf32>
    %slice3A_1232 = vector.extract_strided_slice %get3A_1 {offsets = [5, 768], sizes = [1, 256], strides = [1, 1]} : vector<16x1024xf32> to vector<1x256xf32>
    %sub3A_1233 = vector.broadcast %slice3A_1231 : vector<256x1xf32> to vector<256x256xf32>
    %sub3A_1234 = vector.broadcast %slice3A_1232 : vector<1x256xf32> to vector<256x256xf32>
    %sub3A_1235 = arith.subf %sub3A_1233, %sub3A_1234 : vector<256x256xf32>
    %slice3A_1236 = vector.extract_strided_slice %slice3A_1155 {offsets = [0, 13], sizes = [256, 1], strides = [1, 1]} : vector<256x16xf32> to vector<256x1xf32>
    %slice3A_1237 = vector.extract_strided_slice %get3A_1 {offsets = [13, 768], sizes = [1, 256], strides = [1, 1]} : vector<16x1024xf32> to vector<1x256xf32>
    %sub3A_1238 = vector.broadcast %slice3A_1236 : vector<256x1xf32> to vector<256x256xf32>
    %sub3A_1239 = vector.broadcast %slice3A_1237 : vector<1x256xf32> to vector<256x256xf32>
    %sub3A_1240 = arith.subf %sub3A_1238, %sub3A_1239 : vector<256x256xf32>
    %mul3A_1241 = arith.mulf %sub3A_1235, %sub3A_1235 : vector<256x256xf32>
    %mul3A_1242 = arith.mulf %sub3A_1240, %sub3A_1240 : vector<256x256xf32>
    %add3A_1243 = arith.addf %mul3A_1241, %mul3A_1242 : vector<256x256xf32>
    %sqrt3A_1244 = math.sqrt %add3A_1243 : vector<256x256xf32>
    %add3A_1245 = arith.addf %add3A_1230, %sqrt3A_1244 : vector<256x256xf32>
    %slice3A_1246 = vector.extract_strided_slice %slice3A_1155 {offsets = [0, 6], sizes = [256, 1], strides = [1, 1]} : vector<256x16xf32> to vector<256x1xf32>
    %slice3A_1247 = vector.extract_strided_slice %get3A_1 {offsets = [6, 768], sizes = [1, 256], strides = [1, 1]} : vector<16x1024xf32> to vector<1x256xf32>
    %sub3A_1248 = vector.broadcast %slice3A_1246 : vector<256x1xf32> to vector<256x256xf32>
    %sub3A_1249 = vector.broadcast %slice3A_1247 : vector<1x256xf32> to vector<256x256xf32>
    %sub3A_1250 = arith.subf %sub3A_1248, %sub3A_1249 : vector<256x256xf32>
    %slice3A_1251 = vector.extract_strided_slice %slice3A_1155 {offsets = [0, 14], sizes = [256, 1], strides = [1, 1]} : vector<256x16xf32> to vector<256x1xf32>
    %slice3A_1252 = vector.extract_strided_slice %get3A_1 {offsets = [14, 768], sizes = [1, 256], strides = [1, 1]} : vector<16x1024xf32> to vector<1x256xf32>
    %sub3A_1253 = vector.broadcast %slice3A_1251 : vector<256x1xf32> to vector<256x256xf32>
    %sub3A_1254 = vector.broadcast %slice3A_1252 : vector<1x256xf32> to vector<256x256xf32>
    %sub3A_1255 = arith.subf %sub3A_1253, %sub3A_1254 : vector<256x256xf32>
    %mul3A_1256 = arith.mulf %sub3A_1250, %sub3A_1250 : vector<256x256xf32>
    %mul3A_1257 = arith.mulf %sub3A_1255, %sub3A_1255 : vector<256x256xf32>
    %add3A_1258 = arith.addf %mul3A_1256, %mul3A_1257 : vector<256x256xf32>
    %sqrt3A_1259 = math.sqrt %add3A_1258 : vector<256x256xf32>
    %add3A_1260 = arith.addf %add3A_1245, %sqrt3A_1259 : vector<256x256xf32>
    %slice3A_1261 = vector.extract_strided_slice %slice3A_1155 {offsets = [0, 7], sizes = [256, 1], strides = [1, 1]} : vector<256x16xf32> to vector<256x1xf32>
    %slice3A_1262 = vector.extract_strided_slice %get3A_1 {offsets = [7, 768], sizes = [1, 256], strides = [1, 1]} : vector<16x1024xf32> to vector<1x256xf32>
    %sub3A_1263 = vector.broadcast %slice3A_1261 : vector<256x1xf32> to vector<256x256xf32>
    %sub3A_1264 = vector.broadcast %slice3A_1262 : vector<1x256xf32> to vector<256x256xf32>
    %sub3A_1265 = arith.subf %sub3A_1263, %sub3A_1264 : vector<256x256xf32>
    %slice3A_1266 = vector.extract_strided_slice %slice3A_1155 {offsets = [0, 15], sizes = [256, 1], strides = [1, 1]} : vector<256x16xf32> to vector<256x1xf32>
    %slice3A_1267 = vector.extract_strided_slice %get3A_1 {offsets = [15, 768], sizes = [1, 256], strides = [1, 1]} : vector<16x1024xf32> to vector<1x256xf32>
    %sub3A_1268 = vector.broadcast %slice3A_1266 : vector<256x1xf32> to vector<256x256xf32>
    %sub3A_1269 = vector.broadcast %slice3A_1267 : vector<1x256xf32> to vector<256x256xf32>
    %sub3A_1270 = arith.subf %sub3A_1268, %sub3A_1269 : vector<256x256xf32>
    %mul3A_1271 = arith.mulf %sub3A_1265, %sub3A_1265 : vector<256x256xf32>
    %mul3A_1272 = arith.mulf %sub3A_1270, %sub3A_1270 : vector<256x256xf32>
    %add3A_1273 = arith.addf %mul3A_1271, %mul3A_1272 : vector<256x256xf32>
    %sqrt3A_1274 = math.sqrt %add3A_1273 : vector<256x256xf32>
    %add3A_1275 = arith.addf %add3A_1260, %sqrt3A_1274 : vector<256x256xf32>
    %swap3A_1276 = arith.constant 768 : index
    %swap3A_1277 = arith.constant 768 : index
    %swap3A_1278 = vector.load %arg5[%swap3A_1276, %swap3A_1277] : memref<1024x1024xf32, #tpu.memory_space<vmem>>, vector<256x256xf32>
    tpu.vector_store %arg5[%swap3A_1276, %swap3A_1277], %add3A_1275 {strides = array<i32>} : memref<1024x1024xf32, #tpu.memory_space<vmem>>, vector<256x256xf32>,
    %get3A_1279 = arith.constant 0 : index
    %get3A_1280 = arith.constant 0 : index
    %get3A_1281 = vector.load %arg5[%get3A_1279, %get3A_1280] : memref<1024x1024xf32, #tpu.memory_space<vmem>>, vector<1024x1024xf32>
    %div3A = arith.constant 8.000000e+00 : f32
    %div3A_1282 = vector.broadcast %div3A : f32 to vector<1024x1024xf32>
    %div3A_1283 = arith.divf %get3A_1281, %div3A_1282 : vector<1024x1024xf32>
    %iota3A = tpu.iota {dimensions = array<i32: 0>} : vector<1024x1024xi32>
    %iota3A_1284 = tpu.iota {dimensions = array<i32: 1>} : vector<1024x1024xi32>
    %lt3A = arith.cmpi slt, %iota3A, %iota3A_1284 : vector<1024x1024xi32>
    %le3A = arith.constant 5.000000e-01 : f32
    %le3A_1285 = vector.broadcast %le3A : f32 to vector<1024x1024xf32>
    %le3A_1286 = arith.cmpf ole, %div3A_1283, %le3A_1285 : vector<1024x1024xf32>
    %and3A = arith.andi %lt3A, %le3A_1286 : vector<1024x1024xi1>
    %jit3A = arith.constant -1 : i32
    %broadcast_in_dim3A_1287 = vector.broadcast %jit3A : i32 to vector<1024x1024xi32>
    %select_n3A = arith.select %and3A, %iota3A, %broadcast_in_dim3A_1287 : vector<1024x1024xi1>, vector<1024x1024xi32>
    %reduce_max3A = arith.constant dense<-2147483648> : vector<1024xi32>
    %reduce_max3A_1288 = vector.multi_reduction <maxsi>, %select_n3A, %reduce_max3A [0] : vector<1024x1024xi32> to vector<1024xi32>
    %broadcast_in_dim3A_1289 = vector.shape_cast %reduce_max3A_1288 : vector<1024xi32> to vector<1x1024xi32>
    %swap3A_1290 = arith.constant 0 : index
    %swap3A_1291 = arith.constant 0 : index
    %swap3A_1292 = vector.load %arg3[%swap3A_1290, %swap3A_1291] : memref<1x1024xi32, #tpu.memory_space<vmem>>, vector<1x1024xi32>
    tpu.vector_store %arg3[%swap3A_1290, %swap3A_1291], %broadcast_in_dim3A_1289 {strides = array<i32>} : memref<1x1024xi32, #tpu.memory_space<vmem>>, vector<1x1024xi32>,
    %iota3A_1293 = tpu.iota {dimensions = array<i32: 0>} : vector<32x1024xi32>
    %iota3A_1294 = tpu.iota {dimensions = array<i32: 1>} : vector<32x1024xi32>
    %shift_right_arithmetic3A = arith.constant 5 : i32
    %shift_right_arithmetic3A_1295 = vector.broadcast %shift_right_arithmetic3A : i32 to vector<32x1024xi32>
    %shift_right_arithmetic3A_1296 = arith.shrsi %iota3A_1294, %shift_right_arithmetic3A_1295 : vector<32x1024xi32>
    %eq3A = arith.cmpi eq, %shift_right_arithmetic3A_1296, %iota3A_1293 : vector<32x1024xi32>
    %and3A_1297 = arith.constant 15 : i32
    %and3A_1298 = vector.broadcast %and3A_1297 : i32 to vector<32x1024xi32>
    %and3A_1299 = arith.andi %iota3A_1294, %and3A_1298 : vector<32x1024xi32>
    %shift_left3A = arith.constant 1 : i32
    %shift_left3A_1300 = vector.broadcast %shift_left3A : i32 to vector<32x1024xi32>
    %shift_left3A_1301 = arith.shli %shift_left3A_1300, %and3A_1299 : vector<32x1024xi32>
    %and3A_1302 = arith.constant 31 : i32
    %and3A_1303 = vector.broadcast %and3A_1302 : i32 to vector<32x1024xi32>
    %and3A_1304 = arith.andi %iota3A_1294, %and3A_1303 : vector<32x1024xi32>
    %lt3A_1305 = arith.constant 16 : i32
    %lt3A_1306 = vector.broadcast %lt3A_1305 : i32 to vector<32x1024xi32>
    %lt3A_1307 = arith.cmpi slt, %and3A_1304, %lt3A_1306 : vector<32x1024xi32>
    %and3A_1308 = arith.andi %eq3A, %lt3A_1307 : vector<32x1024xi1>
    %jit3A_1309 = arith.constant 0 : i32
    %broadcast_in_dim3A_1310 = vector.broadcast %jit3A_1309 : i32 to vector<32x1024xi32>
    %select_n3A_1311 = arith.select %and3A_1308, %shift_left3A_1301, %broadcast_in_dim3A_1310 : vector<32x1024xi1>, vector<32x1024xi32>
    %convert_element_type3A = arith.sitofp %select_n3A_1311 : vector<32x1024xi32> to vector<32x1024xf32>
    %and3A_1312 = arith.constant 31 : i32
    %and3A_1313 = vector.broadcast %and3A_1312 : i32 to vector<32x1024xi32>
    %and3A_1314 = arith.andi %iota3A_1294, %and3A_1313 : vector<32x1024xi32>
    %ge3A = arith.constant 16 : i32
    %ge3A_1315 = vector.broadcast %ge3A : i32 to vector<32x1024xi32>
    %ge3A_1316 = arith.cmpi sge, %and3A_1314, %ge3A_1315 : vector<32x1024xi32>
    %and3A_1317 = arith.andi %eq3A, %ge3A_1316 : vector<32x1024xi1>
    %jit3A_1318 = arith.constant 0 : i32
    %broadcast_in_dim3A_1319 = vector.broadcast %jit3A_1318 : i32 to vector<32x1024xi32>
    %select_n3A_1320 = arith.select %and3A_1317, %shift_left3A_1301, %broadcast_in_dim3A_1319 : vector<32x1024xi1>, vector<32x1024xi32>
    %convert_element_type3A_1321 = arith.sitofp %select_n3A_1320 : vector<32x1024xi32> to vector<32x1024xf32>
    %convert_element_type3A_1322 = arith.extui %and3A : vector<1024x1024xi1> to vector<1024x1024xi32>
    %convert_element_type3A_1323 = arith.sitofp %convert_element_type3A_1322 : vector<1024x1024xi32> to vector<1024x1024xf32>
    %dot_general3A = arith.constant dense<0.000000e+00> : vector<32x1024xf32>
    %dot_general3A_1324 = tpu.matmul %convert_element_type3A, %convert_element_type3A_1323, %dot_general3A {dimension_numbers = #tpu.dot_dimension_numbers<[1], [0], [0], [1], [0, 0, 1, 1], [], []>, transpose_lhs_hint = false} : vector<32x1024xf32>, vector<1024x1024xf32>, vector<32x1024xf32> -> vector<32x1024xf32>
    %dot_general3A_1325 = arith.constant dense<0.000000e+00> : vector<32x1024xf32>
    %dot_general3A_1326 = tpu.matmul %convert_element_type3A_1321, %convert_element_type3A_1323, %dot_general3A_1325 {dimension_numbers = #tpu.dot_dimension_numbers<[1], [0], [0], [1], [0, 0, 1, 1], [], []>, transpose_lhs_hint = false} : vector<32x1024xf32>, vector<1024x1024xf32>, vector<32x1024xf32> -> vector<32x1024xf32>
    %convert_element_type3A_1327 = arith.fptosi %dot_general3A_1324 : vector<32x1024xf32> to vector<32x1024xi32>
    %convert_element_type3A_1328 = arith.fptosi %dot_general3A_1326 : vector<32x1024xf32> to vector<32x1024xi32>
    %shift_left3A_1329 = arith.constant 16 : i32
    %shift_left3A_1330 = vector.broadcast %shift_left3A_1329 : i32 to vector<32x1024xi32>
    %shift_left3A_1331 = arith.shli %convert_element_type3A_1328, %shift_left3A_1330 : vector<32x1024xi32>
    %or3A = arith.ori %convert_element_type3A_1327, %shift_left3A_1331 : vector<32x1024xi32>
    %swap3A_1332 = arith.constant 0 : index
    %swap3A_1333 = arith.constant 0 : index
    %swap3A_1334 = vector.load %arg2[%swap3A_1332, %swap3A_1333] : memref<32x1024xi32, #tpu.memory_space<vmem>>, vector<32x1024xi32>
    tpu.vector_store %arg2[%swap3A_1332, %swap3A_1333], %or3A {strides = array<i32>} : memref<32x1024xi32, #tpu.memory_space<vmem>>, vector<32x1024xi32>,
    %sub3A_1335 = arith.constant 5.000000e-01 : f32
    %sub3A_1336 = vector.broadcast %sub3A_1335 : f32 to vector<1024x1024xf32>
    %sub3A_1337 = arith.subf %sub3A_1336, %div3A_1283 : vector<1024x1024xf32>
    %mul3A_1338 = arith.constant 1.000000e+01 : f32
    %mul3A_1339 = vector.broadcast %mul3A_1338 : f32 to vector<1024x1024xf32>
    %mul3A_1340 = arith.mulf %sub3A_1337, %mul3A_1339 : vector<1024x1024xf32>
    %neg3A = arith.constant 0.000000e+00 : f32
    %neg3A_1341 = vector.broadcast %neg3A : f32 to vector<1024x1024xf32>
    %neg3A_1342 = arith.subf %neg3A_1341, %mul3A_1340 : vector<1024x1024xf32>
    %exp3A = math.exp %neg3A_1342 : vector<1024x1024xf32>
    %add3A_1343 = arith.constant 1.000000e+00 : f32
    %add3A_1344 = vector.broadcast %add3A_1343 : f32 to vector<1024x1024xf32>
    %add3A_1345 = arith.addf %add3A_1344, %exp3A : vector<1024x1024xf32>
    %div3A_1346 = arith.constant 1.000000e+00 : f32
    %div3A_1347 = vector.broadcast %div3A_1346 : f32 to vector<1024x1024xf32>
    %div3A_1348 = arith.divf %div3A_1347, %add3A_1345 : vector<1024x1024xf32>
    %reduce_sum3A = arith.constant dense<0.000000e+00> : vector<1024xf32>
    %reduce_sum3A_1349 = vector.multi_reduction <add>, %div3A_1348, %reduce_sum3A [0] : vector<1024x1024xf32> to vector<1024xf32>
    %broadcast_in_dim3A_1350 = vector.shape_cast %reduce_sum3A_1349 : vector<1024xf32> to vector<1x1024xf32>
    %get3A_1351 = arith.constant 0 : index
    %get3A_1352 = arith.constant 0 : index
    %get3A_1353 = vector.load %arg1[%get3A_1351, %get3A_1352] : memref<16x1024xf32, #tpu.memory_space<vmem>>, vector<16x1024xf32>
    %dot_general3A_1354 = arith.constant dense<0.000000e+00> : vector<16x1024xf32>
    %dot_general3A_1355 = tpu.matmul %get3A_1353, %div3A_1348, %dot_general3A_1354 {dimension_numbers = #tpu.dot_dimension_numbers<[1], [0], [0], [1], [0, 0, 1, 1], [], []>, transpose_lhs_hint = false} : vector<16x1024xf32>, vector<1024x1024xf32>, vector<16x1024xf32> -> vector<16x1024xf32>
    %div3A_1356 = vector.broadcast %broadcast_in_dim3A_1350 : vector<1x1024xf32> to vector<16x1024xf32>
    %div3A_1357 = arith.divf %dot_general3A_1355, %div3A_1356 : vector<16x1024xf32>
    %sub3A_1358 = arith.subf %get3A_1353, %div3A_1357 : vector<16x1024xf32>
    %add3A_1359 = arith.addf %sub3A_1358, %div3A_1357 : vector<16x1024xf32>
    %swap3A_1360 = arith.constant 0 : index
    %swap3A_1361 = arith.constant 0 : index
    %swap3A_1362 = vector.load %arg4[%swap3A_1360, %swap3A_1361] : memref<16x1024xf32, #tpu.memory_space<vmem>>, vector<16x1024xf32>
    tpu.vector_store %arg4[%swap3A_1360, %swap3A_1361], %add3A_1359 {strides = array<i32>} : memref<16x1024xf32, #tpu.memory_space<vmem>>, vector<16x1024xf32>,
    return
  }
}

</mosaic_0001>

<sc_bundles>
// kernel: kernel.4.cloned.1.call-start
scs
__scs_entry_jumppad:
0x0: {  	(pc) =	sbr.rel $0x88, $3  }
0x1: {  	(tag) =	ssettag $0x0;
	lr =	simm.s32 $0x1  }
0x2: {  	[smem:$0x3F9F] =	sst lr;
	_ =	strace $0xD0000000  }
0x3: {  	_ = 	snop  }
0x4: {  	_ = 	snop  }
0x5: {  	_ = 	snop  }
0x6: {  	_ = 	snop  }
0x7: {  	_ = 	snop  }
__scs_overlays_trampoline_lowered:
0x8: {  	[smem:$0x3FAE] =	sst s0  }
0x9: {  	[smem:$0x3FAF] =	sst s1  }
0xa: {  	[smem:$0x3FB0] =	sst s2  }
0xb: {  	[smem:$0x3FB1] =	sst s3  }
0xc: {  	[smem:$0x3FB2] =	sst s4  }
0xd: {  	[smem:$0x3FB3] =	sst s5  }
0xe: {  	[smem:$0x3FB4] =	sst s6  }
0xf: {  	[smem:$0x3FB5] =	sst s7  }
0x10: {  	[smem:$0x3FB6] =	sst s8  }
0x11: {  	[smem:$0x3FB7] =	sst s9;
	s0 =	simm.s32 @!p0 $0x0  }
0x12: {  	s1 =	sld [smem:$0x3F9D];
	s0 =	simm.s32 @p0 $0x1  }
0x13: {  	[smem:$0x3FB8] =	sst s0;
	s0 =	simm.s32 @!p1 $0x0  }
0x14: {  	s2 =	sld [smem:$0x3F9C];
	s0 =	simm.s32 @p1 $0x1  }
0x15: {  	[smem:$0x3FB9] =	sst s0;
	s0 =	simm.s32 @!p2 $0x0  }
0x16: {  	s3 =	sld [smem:$0x3FDB];
	s0 =	simm.s32 @p2 $0x1  }
0x17: {  	s4 =	simm.s32 $0x1BF5;
	[smem:$0x3FBB] =	sst s0  }
0x18: {  	s0 =	sld [smem:$0x3F9E];
	_ =	swait.ge [sflag:s4], $0x0  }
0x19: {  	s7 =	sld [smem:$0x3F9F]  }
0x1a: {  	s8 =	sadd.s32 $0xFFFFE003, lr  }
0x1b: {  	s9 =	sadd.s32 $0xFFFFFEF7, lr;
	s5 =	simm.s32 $0xFFFFFFFF;
	p2 =	slt.u32 s8, $0xFFFFF086  }
0x1c: {  	p1 =	slt.u32 s9, $0xF7A;
	s5 =	simm.s32 @!p2 $0x0  }
0x1d: {  	s5 =	simm.s32 @p1 $0x1;
	p0 =	seq.s32 s7, s2  }
0x1e: {  	s7 =	smul.u32 @!p0 $0xF7A, s2;
	p2 =	seq.s32 @!p0 s5, $0x0  }
0x1f: {  	s9 =	smul.u32 $0xF7A, s1;
	s8 =	simm.s32 @!p0 $0x1BF5;
	p2 =	por !p2, p0  }
0x20: {  	[sflag:s8] =	ssyncset.s32 @!p0 $0xFFFFF086;
	s6 =	sadd.s32 @!p0 s3, s7;
	s7 =	simm.s32 @!p0 $0x108  }
0x21: {  	s3 =	sadd.s32 s3, s9;
	s6 =	sadd.s32 @!p0 $0x88, s6;
	s7 =	simm.s32 @p2 $0x1082  }
0x22: {  	[simem:s7], [sflag:s8] =	dma.local @!p0 [hbm:s6], $0xF7A  }
0x23: {  	s9 =	sor.u32 $0xD0000000, s2;
	s6 =	simm.s32 $0x108;
	_ =	swait.ge @!p0 [sflag:s8], $0x0  }
0x24: {  	s3 =	sadd.s32 $0x88, s3;
	s6 =	simm.s32 @!p1 $0x1082;
	[sflag:s4] =	ssyncset.s32 $0xFFFFF086  }
0x25: {  	[simem:s6], [sflag:s4] =	dma.local [hbm:s3], $0xF7A  }
0x26: {  	[smem:$0x3F9F] =	sst s1;
	(tag) =	ssettag s2;
	_ =	strace s9  }
0x27: {  	s1 =	sld [smem:$0x3FAF]  }
0x28: {  	s2 =	sld [smem:$0x3FB0]  }
0x29: {  	s4 =	sld [smem:$0x3FB2]  }
0x2a: {  	p0 =	seq.s32 s5, $0x0;
	s5 =	sld [smem:$0x3FB3]  }
0x2b: {  	s6 =	sld [smem:$0x3FB4]  }
0x2c: {  	s7 =	sld [smem:$0x3FB5]  }
0x2d: {  	s3 =	simm.s32 $0x108;
	s8 =	sld [smem:$0x3FB6]  }
0x2e: {  	s3 =	simm.s32 @!p0 $0x1082;
	s9 =	sld [smem:$0x3FB7]  }
0x2f: {  	lr =	sadd.s32 s0, s3;
	s0 =	sld [smem:$0x3FAE]  }
0x30: {  	s3 =	sld [smem:$0x3FB1]  }
0x31: {  	[smem:$0x3FBA] =	sst s10  }
0x32: {  	s10 =	sld [smem:$0x3FB8];
	_ =	sdelay $0x3  }
0x33: {  	p0 =	seq.s32 s10, $0x1;
	s10 =	sld [smem:$0x3FBA];
	_ =	sdelay $0x3  }
0x34: {  	[smem:$0x3FBA] =	sst s10  }
0x35: {  	s10 =	sld [smem:$0x3FB9];
	_ =	sdelay $0x3  }
0x36: {  	p1 =	seq.s32 s10, $0x1;
	s10 =	sld [smem:$0x3FBA];
	_ =	sdelay $0x3  }
0x37: {  	[smem:$0x3FBA] =	sst s10  }
0x38: {  	s10 =	sld [smem:$0x3FBB]  }
0x39: {  	_ = 	snop;
	(pc) =	sbr.ind lr, $3  }
0x3a: {  	_ = 	snop  }
0x3b: {  	_ = 	snop  }
0x3c: {  	p2 =	seq.s32 s10, $0x1;
	s10 =	sld [smem:$0x3FBA]  }
0x3d: {  	_ =	shalt  }
0x3e: {  	_ =	shalt  }
0x3f: {  	_ =	shalt  }
0x40: {  	_ =	shalt  }
0x41: {  	_ =	shalt  }
0x42: {  	_ =	shalt  }
0x43: {  	_ =	shalt  }
0x44: {  	_ =	shalt  }
0x45: {  	_ =	shalt  }
0x46: {  	_ =	shalt  }
0x47: {  	_ =	shalt  }
0x48: {  	_ =	shalt  }
0x49: {  	_ =	shalt  }
0x4a: {  	_ =	shalt  }
0x4b: {  	_ =	shalt  }
0x4c: {  	_ =	shalt  }
0x4d: {  	_ =	shalt  }
0x4e: {  	_ =	shalt  }
0x4f: {  	_ =	shalt  }
0x50: {  	_ =	shalt  }
0x51: {  	_ =	shalt  }
0x52: {  	_ =	shalt  }
0x53: {  	_ =	shalt  }
0x54: {  	_ =	shalt  }
0x55: {  	_ =	shalt  }
0x56: {  	_ =	shalt  }
0x57: {  	_ =	shalt  }
0x58: {  	_ =	shalt  }
0x59: {  	_ =	shalt  }
0x5a: {  	_ =	shalt  }
0x5b: {  	_ =	shalt  }
0x5c: {  	_ =	shalt  }
0x5d: {  	_ =	shalt  }
0x5e: {  	_ =	shalt  }
0x5f: {  	_ =	shalt  }
0x60: {  	_ =	shalt  }
0x61: {  	_ =	shalt  }
0x62: {  	_ =	shalt  }
0x63: {  	_ =	shalt  }
0x64: {  	_ =	shalt  }
0x65: {  	_ =	shalt  }
0x66: {  	_ =	shalt  }
0x67: {  	_ =	shalt  }
0x68: {  	_ =	shalt  }
0x69: {  	_ =	shalt  }
0x6a: {  	_ =	shalt  }
0x6b: {  	_ =	shalt  }
0x6c: {  	_ =	shalt  }
0x6d: {  	_ =	shalt  }
0x6e: {  	_ =	shalt  }
0x6f: {  	_ =	shalt  }
0x70: {  	_ =	shalt  }
0x71: {  	_ =	shalt  }
0x72: {  	_ =	shalt  }
0x73: {  	_ =	shalt  }
0x74: {  	_ =	shalt  }
0x75: {  	_ =	shalt  }
0x76: {  	_ =	shalt  }
0x77: {  	_ =	shalt  }
0x78: {  	_ =	shalt  }
0x79: {  	_ =	shalt  }
0x7a: {  	_ =	shalt  }
0x7b: {  	_ =	shalt  }
0x7c: {  	_ =	shalt  }
0x7d: {  	_ =	shalt  }
0x7e: {  	_ =	shalt  }
0x7f: {  	_ =	shalt  }
0x80: {  	_ =	shalt  }
0x81: {  	_ =	shalt  }
0x82: {  	_ =	shalt  }
0x83: {  	_ =	shalt  }
0x84: {  	_ =	shalt  }
0x85: {  	_ =	shalt  }
0x86: {  	_ =	shalt  }
0x87: {  	_ =	shalt  }
.Lfunc_end0:
.L_simem_size_0:
called_computation_lowered:
.L_overlay_start_0:
0x88: {  	s2 =	sld [smem:$0x3FD9]  }
0x89: {  	s3 =	sld [smem:$0x3FFE];
	_ =	sdelay $0x1  }
0x8a: {  	s1 =	srdreg.scid  }
0x8b: {  	s0 =	sand.u32 $0x1, s1  }
0x8c: {  	s14 =	sshll.u32 s0, $0xA;
	s2 =	sadd.s32 s3, s2  }
0x8d: {  	s2 =	sadd.s32 s2, s14  }
0x8e: {  	[smem:$0x3FC6] =	sst s2  }
0x8f: {  	_ = 	snop  }
0x90: {  	s2 =	sld [smem:$0x3FD0];
	_ =	sdelay $0x2  }
0x91: {  	s15 =	simm.s32 $0xA;
	s4 =	simm.s32 $0x10  }
0x92: {  	[smem:s4], [sflag:s15] =	dma.local [hbm:s2], $0x1  }
0x93: {  	_ =	swait.eq [sflag:s15], $0x1  }
0x94: {  	[sflag:s15] =	ssyncset.done $0x0  }
0x95: {  	[sflag:s15] =	ssyncadd.s32 $0xFFFFFFFF  }
0x96: {  	s16 =	sld [smem:$0x11];
	(tm) =	ssettm $0x1  }
0x97: {  	s17 =	sld [smem:$0x3FFB];
	_ =	sdelay $0x3  }
0x98: {  	_ =	strace s17  }
0x99: {  	s3 =	sld [smem:$0x3FFC];
	_ =	sdelay $0x3  }
0x9a: {  	_ =	strace s3  }
0x9b: {  	s3 =	sld [smem:$0x3FFD];
	_ =	sdelay $0x3  }
0x9c: {  	_ =	strace s3  }
0x9d: {  	_ =	strace $0x8FFFFFFF  }
0x9e: {  	s18 =	sld [smem:$0x3FDB];
	_ =	sdelay $0x1  }
0x9f: {  	s19 =	simm.s32 $_scs_section_size  }
0xa0: {  	s5 =	simm.s32 $_size__tile_overlayer_lowered;
	s6 =	simm.s32 $_tile_overlayer_lowered  }
0xa1: {  	s22 =	simm.s32 $0x1BFF;
	s21 =	sshll.u32 s6, $0x1;
	s3 =	sadd.s32 s19, s18  }
0xa2: {  	s7 =	simm.s32 $0x0;
	s20 =	sshll.u32 s5, $0x1;
	s5 =	sadd.s32 s21, s3  }
0xa3: {  	[timem:s7], [sflag:s22] =	dma.local [hbm:s5], s20  }
0xa4: {  	_ =	swait.ge [sflag:s22], s20  }
0xa5: {  	s4 =	ssub.s32 $0x0, s20;
	[sflag:s22] =	ssyncset.done $0x0  }
0xa6: {  	[sflag:s22] =	ssyncadd.s32 s4;
	_ =	sdelay $0x1  }
0xa7: {  	s23 =	simm.s32 $0x1B8B  }
0xa8: {  	_ =	swait.ge [sflag:s23], $0x1  }
0xa9: {  	[sflag:s23] =	ssyncset.done $0x0  }
0xaa: {  	s25 =	simm.s32 $0x1B8E;
	s24 =	sld [smem:$0x3FFE];
	[sflag:s23] =	ssyncadd.s32 $0xFFFFFFFF  }
0xab: {  	s26 =	simm.s32 $execute0_lowered;
	[smem:$0x3FD2] =	sst s25  }
0xac: {  	s5 =	sshll.u32 s26, $0x1;
	_ =	strace $0x80000046;
	[dreg:$0x1] =	wrdreg $0xFFFFFFFF  }
0xad: {  	s28 =	simm.s32 $_size_execute0_lowered;
	s3 =	sadd.s32 s3, s5;
	[dreg:$0x0] =	wrdreg $0x0  }
0xae: {  	s5 =	sshll.u32 s28, $0x1;
	[dreg:$0x2] =	wrdreg s3  }
0xaf: {  	[dreg:$0x3] =	wrdreg s5  }
0xb0: {  	[dreg:$0x4] =	wrdreg $0xC0  }
0xb1: {  	_ =	task [dreg:s7], $0x5FFFF  }
0xb2: {  	[dreg:$0x1] =	wrdreg $0xFFFFFFFF  }
0xb3: {  	[dreg:$0x0] =	wrdreg $0x60  }
0xb4: {  	[dreg:$0x2] =	wrdreg s24  }
0xb5: {  	[dreg:$0x3] =	wrdreg s16  }
0xb6: {  	[dreg:$0x4] =	wrdreg $0x9  }
0xb7: {  	_ =	task.clear_ibuf [dreg:s7], $0x5FFFF;
	_ =	strace $0x90000046  }
0xb8: {  	s29 =	simm.s32 $0x9;
	_ =	strace $0x80000048  }
0xb9: {  	_ =	swait.ge [sflag:s29], $0x1  }
0xba: {  	[sflag:s29] =	ssyncadd.s32 $0xFFFFFFFF  }
0xbb: {  	_ =	strace $0x90000048  }
0xbc: {  	_ =	sfence  }
0xbd: {  	s30 =	sld [smem:$0x0];
	_ =	sdelay $0x2  }
0xbe: {  	s31 =	sshll.u32 s1, $0xD;
	s1 =	sshrl.u32 s1, $0x2  }
0xbf: {  	s3 =	sand.u32 $0x4000, s31;
	s1 =	sadd.s32 s1, s30  }
0xc0: {  	s0 =	sor.u32 s3, s0;
	s1 =	sshll.u32 s1, $0x11  }
0xc1: {  	s0 =	sor.u32 s1, s0  }
0xc2: {  	s0 =	sadd.s32 $0x8F2B, s0  }
0xc3: {  	[sflag:s0] =	ssyncadd.remote.s32 $0x1  }
0xc4: {  	_ =	sfence.sel $0xFFFF  }
0xc5: {  	[dreg:$0x0] =	wrdreg $0xFFFFFFFF;
	(pc) =	sbr.abs _section_cstart, $3  }
0xc6: {  	[dreg:$0x1] =	wrdreg $0xFFFFFFFF  }
0xc7: {  	_ =	task.clear_ibuf [dreg:s7], $0x2FFFF;
	_ =	strace $0x9FFFFFFF  }
0xc8: {  	(tm) =	ssettm $0x7FFFFFFF  }
0xc9: {  	_ =	shalt  }
tec
execute0_lowered:
.L_overlay_start_1:
0x0: {  	(tag) =	ssettag $0x1  }
0x1: {  	s0 =	srdreg.scid  }
0x2: {  	s3 =	sand.u32 $0x1, s0;
	s0 =	stileid.u32  }
0x3: {  	s5 =	sshll.u32 s3, $0x4;
	s6 =	ssub.s32 $0x0, s0  }
0x4: {  	p0 =	sne.s32 s5, s6  }
.Ltmp0:
0x5: {  	_ = 	snop;
	(pc) =	sbr.rel @p0 .LBB2_25-.Ltmp0, $4  }
0x6: {  	_ = 	snop  }
0x7: {  	s4 =	rddreg [dreg:$0x0]  }
0x8: {  	s2 =	rddreg [dreg:$0x1]  }
0x9: {  	s1 =	rddreg [dreg:$0x2];
	_ =	strace $0x80000047  }
.Ltmp1:
0xa: {  	s5 =	ssub.s32 $0x2, s3;
	(pc) =	sbr.rel .LBB2_2-.Ltmp1, $4  }
0xb: {  	s3 =	sadd.s32 $0xE00, s4;
	s4 =	sadd.s32 $0xC00, s4;
	s7 =	simm.s32 $0x8000  }
0xc: {  	s8 =	simm.s32 $0x1;
	s9 =	simm.s32 $0x8800;
	s6 =	sshrl.u32 s5, $0x1  }
0xd: {  	s10 =	simm.s32 $0x8400;
	s11 =	simm.s32 $0x8C00;
	s5 =	ssub.s32 s5, s6  }
0xe: {  	v0 =	vimm.s32 $0x0;
	v1 =	vlaneseq.u32;
	v2 =	vimm.s32 $0x1;
	s12 =	simm.s32 $0x0;
	s6 =	simm.s32 $0x0;
	s5 =	smax.u32 s5, $0x1  }
.LBB2_24:
0xf: {  	s12 =	sadd.s32 $0x1, s12  }
0x10: {  	p0 =	sne.s32 s12, s5  }
.Ltmp2:
0x11: {  	_ = 	snop;
	(pc) =	sbr.rel @!p0 .LBB2_25-.Ltmp2, $4  }
0x12: {  	[hbm4b:s2+s6] =	stream.linear.scatter [tilespmem:s9], [sflag:$0x1], $0x400, $0x38;
	[tilespmem:$0x9000] =	vst v63  }
0x13: {  	_ =	swait.ge [sflag:s8], $0x400  }
0x14: {  	[sflag:s8] =	ssyncset.done $0x0  }
0x15: {  	[sflag:s8] =	ssyncadd.s32 $0xFFFFFC00  }
.LBB2_2:
0x16: {  	[tilespmem:s7], [sflag:$0x1] =	stream.linear.gather [hbm4b:s4+s6], $0x400, $0x38;
	[tilespmem:$0x9000] =	vst v63  }
0x17: {  	_ =	swait.ge [sflag:s8], $0x400  }
0x18: {  	[sflag:s8] =	ssyncset.done $0x0  }
0x19: {  	s14 =	simm.s32 $0x0;
	[sflag:s8] =	ssyncadd.s32 $0xFFFFFC00  }
0x1a: {  	v4 =	vld [tilespmem:s14+$0x8000]  }
0x1b: {  	s13 =	simm.s32 $0x40;
	v3 =	vimm.s32 $0x0  }
.LBB2_3:
0x1c: {  	p0 =	sne.s32 s13, $0xFC0  }
.Ltmp3:
0x1d: {  	_ = 	snop;
	(pc) =	sbr.rel @p0 .LBB2_3-.Ltmp3, $4  }
0x1e: {  	_ = 	snop  }
0x1f: {  	s14 =	sshra.s32 s13, $0x2;
	s13 =	sadd.s32 $0x40, s13;
	vm0 =	vgt.s32 v4, $0xFFFFFFFF  }
0x20: {  	v4 =	vld [tilespmem:s14+$0x8000];
	v5 =	vsel vm0, $0x1, v0  }
0x21: {  	v3 =	vadd.s32 v5, v3  }
0x22: {  	_ =	sdelay $0x2  }
0x23: {  	vm0 =	vgt.s32 v4, $0xFFFFFFFF  }
0x24: {  	v4 =	vsel vm0, $0x1, v0  }
0x25: {  	v3 =	vadd.s32 v4, v3  }
0x26: {  	(xrf0) =	vadd.scan.msk.s32 $0xffff, v3;
	_ =	sdelay $0x5  }
0x27: {  	v3, _, _ =	vpop (xrf0)  }
0x28: {  	(v2sf) =	vpush v3, $0xF;
	_ =	sdelay $0xe  }
0x29: {  	s13 =	spop (v2sf)  }
0x2a: {  	p0 =	sne.s32 s13, $0x0  }
.Ltmp4:
0x2b: {  	_ = 	snop;
	(pc) =	sbr.rel @!p0 .LBB2_5-.Ltmp4, $1  }
0x2c: {  	_ =	sdelay $0x3  }
0x2d: {  	p0 =	slt.s32 s13, $0x1  }
.Ltmp5:
0x2e: {  	_ = 	snop;
	(pc) =	sbr.rel @p0 .LBB2_24-.Ltmp5, $1  }
0x2f: {  	_ =	sdelay $0x3  }
0x30: {  	s13 =	simm.s32 $0x0  }
0x31: {  	[tilespmem:s13], [sflag:$0x1] =	stream.linear.gather [hbm4b:s3+s13], $0x8000, $0x38;
	[tilespmem:$0x9000] =	vst v63  }
0x32: {  	_ =	swait.ge [sflag:s8], $0x8000  }
0x33: {  	[sflag:s8] =	ssyncset.done $0x0  }
0x34: {  	s14 =	simm.s32 $0x8400;
	v3 =	vor.u32 s13, v1;
	[sflag:s8] =	ssyncadd.s32 $0xFFFF8000  }
0x35: {  	s15 =	simm.s32 $0x8800;
	[tilespmem:s14+$0x0] =	vst v3  }
0x36: {  	s16 =	simm.s32 $0x10;
	[tilespmem:s15+$0x0] =	vst v0  }
.LBB2_9:
0x37: {  	p0 =	sne.s32 s16, $0x3F0  }
.Ltmp6:
0x38: {  	_ = 	snop;
	(pc) =	sbr.rel @p0 .LBB2_9-.Ltmp6, $4  }
0x39: {  	_ = 	snop  }
0x3a: {  	v3 =	vor.u32 s16, v1;
	s14 =	sadd.s32 $0x10, s14  }
0x3b: {  	s16 =	sadd.s32 $0x10, s16;
	s15 =	sadd.s32 $0x10, s15;
	[tilespmem:s14+$0x0] =	vst v3  }
0x3c: {  	[tilespmem:s15+$0x0] =	vst v0  }
.Ltmp7:
0x3d: {  	_ = 	snop;
	(pc) =	sbr.rel .LBB2_10-.Ltmp7, $1  }
0x3e: {  	_ =	sdelay $0x3  }
.LBB2_16:
0x3f: {  	s13 =	sadd.s32 $0x1, s13  }
0x40: {  	p0 =	sne.s32 s13, $0x40  }
.Ltmp8:
0x41: {  	_ = 	snop;
	(pc) =	sbr.rel @!p0 .LBB2_17-.Ltmp8, $2  }
0x42: {  	_ =	sdelay $0x2  }
0x43: {  	s14 =	simm.s32 $0x0  }
.LBB2_10:
0x44: {  	s14 =	sshll.u32 s13, $0x4  }
0x45: {  	v3 =	vld [tilespmem:s14+$0x8000];
	_ =	sdelay $0x4  }
0x46: {  	vm0 =	vgt.s32 v3, $0xFFFFFFFF  }
0x47: {  	v4 =	vsel vm0, $0x1, v0  }
0x48: {  	(xrf0) =	vadd.scan.msk.s32 $0xffff, v4;
	_ =	sdelay $0x5  }
0x49: {  	v4, _, _ =	vpop (xrf0)  }
0x4a: {  	(v2sf) =	vpush v4, $0xF;
	_ =	sdelay $0xe  }
0x4b: {  	s15 =	spop (v2sf)  }
0x4c: {  	p0 =	slt.s32 s15, $0x1  }
.Ltmp9:
0x4d: {  	_ = 	snop;
	(pc) =	sbr.rel @!p0 .LBB2_11-.Ltmp9, $4  }
.Ltmp10:
0x4e: {  	_ = 	snop;
	(pc) =	sbr.rel @p0 .LBB2_16-.Ltmp10, $4  }
0x4f: {  	_ = 	snop  }
0x50: {  	_ = 	snop  }
0x51: {  	s15 =	simm.s32 $0x0  }
0x52: {  	_ = 	snop  }
.LBB2_15:
0x53: {  	s15 =	sadd.s32 $0x1, s15  }
0x54: {  	p0 =	sne.s32 s15, $0x10  }
.Ltmp11:
0x55: {  	_ = 	snop;
	(pc) =	sbr.rel @!p0 .LBB2_16-.Ltmp11, $1  }
0x56: {  	_ =	sdelay $0x3  }
.LBB2_11:
0x57: {  	v4 =	vmov s15  }
0x58: {  	vm0 =	veq.s32 v4, v1  }
0x59: {  	v4 =	vnsel vm0, $0x0, v3  }
0x5a: {  	(xrf0) =	vadd.scan.msk.s32 $0xffff, v4;
	_ =	sdelay $0x5  }
0x5b: {  	v4, _, _ =	vpop (xrf0)  }
0x5c: {  	(v2sf) =	vpush v4, $0xF;
	_ =	sdelay $0xe  }
0x5d: {  	s16 =	spop (v2sf)  }
0x5e: {  	p0 =	slt.s32 s16, $0x0  }
.Ltmp12:
0x5f: {  	_ = 	snop;
	(pc) =	sbr.rel @p0 .LBB2_15-.Ltmp12, $1  }
0x60: {  	_ =	sdelay $0x3  }
0x61: {  	s16 =	sor.u32 s14, s15  }
0x62: {  	v6 =	vmov s16;
	_ =	sdelay $0x4  }
0x63: {  	v4 =	vld.idx.msk [tilespmem:v6+s7+$0x0], $0xffff  }
0x64: {  	s17 =	simm.s32 $0x40;
	s16 =	simm.s32 $0x0;
	v5 =	vld.idx.msk [tilespmem:v6+s10+$0x0], $0xffff  }
.LBB2_13:
0x65: {  	p0 =	sne.s32 s17, $0xFC0;
	v7 =	vld [tilespmem:s16+$0x8400];
	_ =	sdelay $0x4  }
0x66: {  	v8 =	vshll.u32 v7, $0x5  }
0x67: {  	v8 =	vand.u32 $0xFFFFFC00, v8  }
0x68: {  	v8 =	vor.u32 v6, v8;
	_ =	sdelay $0x4  }
0x69: {  	v8 =	vld.idx.msk [tilespmem:v8+s6+$0x0], $0xffff;
	_ =	sdelay $0x4  }
0x6a: {  	v9 =	vand.u32 $0x1F, v7  }
0x6b: {  	v8 =	vshrl.u32 v8, v9  }
.Ltmp13:
0x6c: {  	v8 =	vand.u32 $0x1, v8;
	(pc) =	sbr.rel @p0 .LBB2_13-.Ltmp13, $4  }
0x6d: {  	vm1 =	veq.s32 v7, v5;
	vm0 =	veq.s32 v8, $0x1  }
0x6e: {  	vm0 =	vmor vm1, vm0  }
0x6f: {  	v7 =	vsel vm0, v4, v7  }
0x70: {  	[tilespmem:s16+$0x8400] =	vst v7;
	s16 =	sshra.s32 s17, $0x2;
	s17 =	sadd.s32 $0x40, s17  }
0x71: {  	v7 =	vld [tilespmem:s16+$0x8400];
	_ =	sdelay $0x4  }
0x72: {  	v8 =	vshll.u32 v7, $0x5  }
0x73: {  	v8 =	vand.u32 $0xFFFFFC00, v8  }
0x74: {  	v6 =	vor.u32 v6, v8;
	_ =	sdelay $0x4  }
0x75: {  	v6 =	vld.idx.msk [tilespmem:v6+s6+$0x0], $0xffff;
	_ =	sdelay $0x3  }
0x76: {  	v63 =	vand.u32 $0x1F, v7  }
0x77: {  	v6 =	vshrl.u32 v6, v63  }
.Ltmp14:
0x78: {  	v6 =	vand.u32 $0x1, v6;
	(pc) =	sbr.rel .LBB2_15-.Ltmp14, $4  }
0x79: {  	vm1 =	veq.s32 v7, v5;
	vm0 =	veq.s32 v6, $0x1  }
0x7a: {  	vm0 =	vmor vm1, vm0  }
0x7b: {  	v4 =	vsel vm0, v4, v7  }
0x7c: {  	[tilespmem:s16+$0x8400] =	vst v4  }
.LBB2_17:
0x7d: {  	s15 =	sshra.s32 s14, $0x2;
	s13 =	sadd.s32 $0x40, s14  }
.LBB2_18:
0x7e: {  	p0 =	sne.s32 s13, $0xFC0;
	v3 =	vld [tilespmem:s15+$0x8400];
	_ =	sdelay $0x3  }
.Ltmp15:
0x7f: {  	(pc) =	sbr.rel @p0 .LBB2_18-.Ltmp15, $2  }
0x80: {  	_ =	sdelay $0x2  }
0x81: {  	s15 =	sshra.s32 s13, $0x2;
	s13 =	sadd.s32 $0x40, s13;
	[tilespmem:v3+s9+$0x0] =	vst.idx.msk $0xffff, v2  }
0x82: {  	v3 =	vld [tilespmem:s15+$0x8400];
	_ =	sdelay $0x7  }
0x83: {  	s16 =	simm.s32 $0x0;
	[tilespmem:v3+s9+$0x0] =	vst.idx.msk $0xffff, v2  }
0x84: {  	s13 =	simm.s32 $0x10;
	v3 =	vld [tilespmem:s16+$0x8800]  }
0x85: {  	v4 =	vld [tilespmem:s13+$0x8800];
	_ =	sdelay $0x3  }
0x86: {  	(xrf0) =	vadd.scan.msk.s32 $0xffff, v3  }
0x87: {  	(xrf0) =	vadd.scan.msk.s32 $0xffff, v4;
	_ =	sdelay $0x4  }
0x88: {  	s15 =	simm.s32 $0x20;
	v4, _, _ =	vpop (xrf0)  }
0x89: {  	v5 =	vld [tilespmem:s15+$0x8800];
	(v2sf) =	vpush v4, $0xF;
	v3, _, _ =	vpop (xrf0)  }
0x8a: {  	(v2sf) =	vpush v3, $0xF;
	_ =	sdelay $0x3  }
0x8b: {  	s17 =	simm.s32 $0x30;
	(xrf0) =	vadd.scan.msk.s32 $0xffff, v5  }
0x8c: {  	v5 =	vld [tilespmem:s17+$0x8800];
	_ =	sdelay $0x3  }
0x8d: {  	s18 =	simm.s32 $0x100  }
.LBB2_20:
0x8e: {  	s19 =	sshra.s32 s18, $0x2;
	p0 =	sne.s32 s18, $0xFC0;
	s18 =	sadd.s32 $0x40, s18;
	(xrf0) =	vadd.scan.msk.s32 $0xffff, v5;
	v6, _, _ =	vpop (xrf0)  }
.Ltmp16:
0x8f: {  	s20 =	sadd.s32 $0xFFFFFFFF, s14;
	v5 =	vld [tilespmem:s19+$0x8800];
	(v2sf) =	vpush v6, $0xF;
	(pc) =	sbr.rel @p0 .LBB2_20-.Ltmp16, $4  }
0x90: {  	v7 =	vadd.s32 s20, v4;
	v4 =	vmov v3;
	v3 =	vmov v6  }
0x91: {  	[tilespmem:s16+$0x8C00] =	vst v7;
	s16 =	smov.u32 s13;
	s13 =	smov.u32 s15;
	s15 =	smov.u32 s17  }
0x92: {  	s17 =	smov.u32 s19;
	s20 =	spop (v2sf)  }
0x93: {  	s14 =	sadd.s32 s14, s20  }
0x94: {  	v6, _, _ =	vpop (xrf0)  }
0x95: {  	(v2sf) =	vpush v6, $0xF;
	_ =	sdelay $0x5  }
0x96: {  	(xrf0) =	vadd.scan.msk.s32 $0xffff, v5;
	_ =	sdelay $0x5  }
0x97: {  	v5, _, _ =	vpop (xrf0)  }
0x98: {  	s18 =	spop (v2sf);
	(v2sf) =	vpush v5, $0xF  }
0x99: {  	s19 =	sadd.s32 $0xFFFFFFFF, s14;
	s24 =	sadd.s32 s14, s18;
	s25 =	spop (v2sf)  }
0x9a: {  	v4 =	vadd.s32 s19, v4;
	s26 =	sadd.s32 $0xFFFFFFFF, s24;
	s14 =	sadd.s32 s24, s25;
	s28 =	spop (v2sf)  }
0x9b: {  	[tilespmem:s16+$0x8C00] =	vst v4;
	v3 =	vadd.s32 s26, v3;
	s29 =	sadd.s32 $0xFFFFFFFF, s14;
	s14 =	sadd.s32 s14, s28  }
0x9c: {  	[tilespmem:s13+$0x8C00] =	vst v3;
	v3 =	vadd.s32 s29, v6;
	s30 =	sadd.s32 $0xFFFFFFFF, s14  }
0x9d: {  	[tilespmem:s15+$0x8C00] =	vst v3;
	v3 =	vadd.s32 s30, v5  }
0x9e: {  	s13 =	simm.s32 $0x0;
	[tilespmem:s17+$0x8C00] =	vst v3  }
0x9f: {  	v3 =	vld [tilespmem:s13+$0x8400];
	_ =	sdelay $0x7  }
0xa0: {  	s15 =	simm.s32 $0x80;
	s14 =	simm.s32 $0x10;
	s31 =	spop (v2sf);
	v3 =	vld.idx.msk [tilespmem:v3+s11+$0x0], $0xffff  }
.LBB2_22:
0xa1: {  	p0 =	sne.s32 s15, $0xFC0;
	v4 =	vld [tilespmem:s14+$0x8400];
	_ =	sdelay $0x3  }
.Ltmp17:
0xa2: {  	(pc) =	sbr.rel @p0 .LBB2_22-.Ltmp17, $2  }
0xa3: {  	[tilespmem:s13+$0x8800] =	vst v3;
	s13 =	smov.u32 s14;
	_ =	sdelay $0x2  }
0xa4: {  	s14 =	sshra.s32 s15, $0x2;
	s15 =	sadd.s32 $0x40, s15;
	v3 =	vld.idx.msk [tilespmem:v4+s11+$0x0], $0xffff  }
0xa5: {  	v4 =	vld [tilespmem:s14+$0x8400];
	_ =	sdelay $0x6  }
0xa6: {  	[tilespmem:s13+$0x8800] =	vst v3  }
0xa7: {  	v3 =	vld.idx.msk [tilespmem:v4+s11+$0x0], $0xffff  }
.Ltmp18:
0xa8: {  	_ = 	snop;
	(pc) =	sbr.rel .LBB2_24-.Ltmp18, $2  }
0xa9: {  	_ =	sdelay $0x2  }
0xaa: {  	[tilespmem:s14+$0x8800] =	vst v3  }
.LBB2_5:
0xab: {  	s14 =	simm.s32 $0x0  }
0xac: {  	s13 =	simm.s32 $0x8800;
	v3 =	vor.u32 s14, v1  }
0xad: {  	s14 =	simm.s32 $0x10;
	[tilespmem:s13+$0x0] =	vst v3  }
.LBB2_6:
0xae: {  	p0 =	seq.s32 s14, $0x3F0  }
.Ltmp19:
0xaf: {  	_ = 	snop;
	(pc) =	sbr.rel @!p0 .LBB2_6-.Ltmp19, $3  }
0xb0: {  	_ =	sdelay $0x1  }
0xb1: {  	v3 =	vor.u32 s14, v1;
	s14 =	sadd.s32 $0x10, s14;
	s13 =	sadd.s32 $0x10, s13  }
0xb2: {  	[tilespmem:s13+$0x0] =	vst v3  }
.Ltmp20:
0xb3: {  	_ = 	snop;
	(pc) =	sbr.rel .LBB2_24-.Ltmp20, $1  }
0xb4: {  	_ =	sdelay $0x3  }
.LBB2_25:
0xb5: {  	_ =	sfence.sel $0x180000  }
0xb6: {  	[bflag:$0x0] =	sbarrier.arrive $0xFFFF  }
0xb7: {  	p0 =	sne.s32 s0, $0x0;
	_ =	strace $0x90000047  }
0xb8: {  	s0 =	sadd.s32 @!p0 $0x100000, s1;
	[bflag:$0x2] =	sbarrier.arrive $0xFFFF  }
0xb9: {  	[sflag:s0] =	ssyncadd.tile.s32 @!p0 $0x1;
	_ =	shalt  }
.Lfunc_end2:
_tile_overlayer_lowered:
.L_overlay_start_2:
0xba: {  	(tag) =	ssettag $0x2  }
0xbb: {  	s0 =	rddreg [dreg:$0x0];
	s2 =	stileid.u32  }
0xbc: {  	s1 =	rddreg [dreg:$0x1];
	p0 =	sne.s32 s2, $0x0  }
0xbd: {  	s3 =	rddreg [dreg:$0x2];
	[bflag:$0x3] =	sbarrier.arrive $0xFFFF;
	s2 =	simm.s32 @!p0 $0x1C01  }
0xbe: {  	[timem:s3], [sflag:s2] =	dma.local @!p0 [hbm:s0], s1  }
0xbf: {  	s0 =	simm.s32 @!p0 $0x1  }
0xc0: {  	_ =	swait.ge @!p0 [sflag:s0], s1  }
0xc1: {  	s1 =	ssub.s32 @!p0 $0x0, s1;
	[sflag:s0] =	ssyncset.done @!p0 $0x0  }
0xc2: {  	[sflag:s0] =	ssyncadd.s32 @!p0 s1  }
0xc3: {  	[bflag:$0x3] =	sbarrier.arrive $0xFFFF  }
0xc4: {  	_ =	shalt  }

</sc_bundles>
